<compile_context>
chip_gen: v7x
topology: tpu7x:2x2x1
jax: 0.10.2.dev20260603
libtpu: 0.0.44.dev20260713+nightly
codegen_flags: <defaults>
</compile_context>

<pallas_src>
import functools

import jax
import jax.numpy as jnp
from jax import lax
from jax.experimental import pallas as pl
from jax.experimental.pallas import tpu as pltpu
from jax.experimental.pallas import tpu_sc as plsc

N_NODES = 10000
D = 128
DH = D // 2
NC = 2
NS = 16
ROWS_PER_TILE = 632
N_PAD = NS * ROWS_PER_TILE
PARK = 10008
CHUNK = 80
NB = 4
ZROWS = 79


def _sc_aggregate(fhalf, src2d, dst2d):
    n_rows = src2d.shape[0]
    cpt = n_rows // NS
    half = cpt // 2
    la = 1 if NB == 2 else 2
    n_groups = (cpt + la + NB - 1) // NB

    mesh = plsc.VectorSubcoreMesh(core_axis_name="c", subcore_axis_name="s")

    @functools.partial(
        pl.kernel,
        mesh=mesh,
        compiler_params=pltpu.CompilerParams(use_tc_tiling_on_sc=False),
        out_type=[
            jax.ShapeDtypeStruct((NC, N_PAD, DH), jnp.float32),
            jax.ShapeDtypeStruct((NC, N_PAD, 16), jnp.float32),
        ],
        scratch_types=(
            [
                pltpu.VMEM((cpt, CHUNK), jnp.int32),
                pltpu.VMEM((cpt, CHUNK), jnp.int32),
            ]
            + [pltpu.VMEM((CHUNK,), jnp.int32) for _ in range(NB)]
            + [pltpu.VMEM((CHUNK,), jnp.int32) for _ in range(NB)]
            + [pltpu.VMEM((CHUNK,), jnp.int32) for _ in range(NB)]
            + [pltpu.VMEM((CHUNK, DH), jnp.float32) for _ in range(NB)]
            + [
                pltpu.VMEM((CHUNK, 16), jnp.float32),
                pltpu.VMEM((ZROWS, DH), jnp.float32),
                pltpu.VMEM((ROWS_PER_TILE, 16), jnp.float32),
                pltpu.VMEM_SHARED((N_PAD, DH), jnp.float32),
                pltpu.VMEM_SHARED((N_PAD, 16), jnp.float32),
                pltpu.SemaphoreType.DMA,
            ]
            + [pltpu.SemaphoreType.DMA for _ in range(3 * NB)]
        ),
    )
    def agg(f2_hbm, src_hbm, dst_hbm, sums_hbm, deg_hbm, *refs):
        (src_all, dst_all) = refs[0:2]
        src_v = refs[2:2 + NB]
        dst_v = refs[2 + NB:2 + 2 * NB]
        dstd_v = refs[2 + 2 * NB:2 + 3 * NB]
        rows = refs[2 + 3 * NB:2 + 4 * NB]
        ones_v, zbuf_v, zdeg_v, acc_sh, deg_sh, sem_i = refs[2 + 4 * NB:8 + 4 * NB]
        sem_g = refs[8 + 4 * NB:8 + 5 * NB]
        sem_s = refs[8 + 5 * NB:8 + 6 * NB]
        sem_d = refs[8 + 6 * NB:8 + 7 * NB]

        cid = lax.axis_index("c")
        sid = lax.axis_index("s")

        pltpu.async_copy(src_hbm.at[pl.ds(sid * cpt, cpt)], src_all, sem_i)
        pltpu.async_copy(dst_hbm.at[pl.ds(sid * cpt, cpt)], dst_all, sem_i)

        zeros16 = jnp.zeros((16,), jnp.float32)
        ones16 = jnp.ones((16,), jnp.float32)

        def zero_zbuf(i, _):
            for j in range(DH // 16):
                zbuf_v[i, pl.ds(j * 16, 16)] = zeros16
            return _
        lax.fori_loop(0, ZROWS, zero_zbuf, None)

        def zero_zdeg(i, _):
            zdeg_v[i, pl.ds(0, 16)] = zeros16
            return _
        lax.fori_loop(0, ROWS_PER_TILE, zero_zdeg, None)

        def fill_ones(i, _):
            ones_v[i, pl.ds(0, 16)] = ones16
            return _
        lax.fori_loop(0, CHUNK, fill_ones, None)

        for b in range(ROWS_PER_TILE // ZROWS):
            pltpu.sync_copy(zbuf_v,
                            acc_sh.at[pl.ds(sid * ROWS_PER_TILE + b * ZROWS, ZROWS)])
        pltpu.sync_copy(zdeg_v, deg_sh.at[pl.ds(sid * ROWS_PER_TILE, ROWS_PER_TILE)])

        pltpu.make_async_copy(src_hbm.at[pl.ds(sid * cpt, cpt)], src_all, sem_i).wait()
        pltpu.make_async_copy(dst_hbm.at[pl.ds(sid * cpt, cpt)], dst_all, sem_i).wait()
        plsc.subcore_barrier()

        def stage(c, k):
            for g in range(CHUNK // 16):
                src_v[k][pl.ds(g * 16, 16)] = (
                    src_all[c, pl.ds(g * 16, 16)] * 2 + cid)
                dst_v[k][pl.ds(g * 16, 16)] = dst_all[c, pl.ds(g * 16, 16)]

        def in_my_half(c):
            return (c < half) == (cid == 0)

        def issue_gather(b):
            pltpu.async_copy(f2_hbm.at[src_v[b]], rows[b], sem_g[b])

        def group(g, _):
            for k in range(NB):
                c = g * NB + k

                @pl.when(jnp.logical_and(c >= NB, c < cpt))
                def _():
                    pltpu.make_async_copy(rows[k], acc_sh.at[dst_v[k]],
                                          sem_s[k]).wait()

                @pl.when(c < cpt)
                def _():
                    stage(c, k)
                    issue_gather(k)

                kb = (k - la) % NB
                cb = c - la

                @pl.when(jnp.logical_and(cb >= 0, cb < cpt))
                def _():
                    pltpu.make_async_copy(f2_hbm.at[src_v[kb]], rows[kb],
                                          sem_g[kb]).wait()
                    pltpu.async_copy(rows[kb], acc_sh.at[dst_v[kb]], sem_s[kb],
                                     add=True)

                @pl.when(jnp.logical_and(jnp.logical_and(cb >= 0, cb < cpt),
                                         in_my_half(cb)))
                def _():
                    @pl.when(jnp.logical_and(cb - NB >= 0, in_my_half(cb - NB)))
                    def _():
                        pltpu.make_async_copy(ones_v, deg_sh.at[dstd_v[kb]],
                                              sem_d[kb]).wait()
                    for gg in range(CHUNK // 16):
                        dstd_v[kb][pl.ds(gg * 16, 16)] = (
                            dst_v[kb][pl.ds(gg * 16, 16)])
                    pltpu.async_copy(ones_v, deg_sh.at[dstd_v[kb]], sem_d[kb],
                                     add=True)
            return _
        lax.fori_loop(0, n_groups, group, None)

        for j in range(NB):
            k = (cpt - NB + j) % NB
            pltpu.make_async_copy(rows[k], acc_sh.at[dst_v[k]], sem_s[k]).wait()
        for b in range(NB):
            pltpu.make_async_copy(ones_v, deg_sh.at[dstd_v[b]], sem_d[b]).wait()

        plsc.subcore_barrier()
        pltpu.sync_copy(acc_sh.at[pl.ds(sid * ROWS_PER_TILE, ROWS_PER_TILE)],
                        sums_hbm.at[cid, pl.ds(sid * ROWS_PER_TILE, ROWS_PER_TILE)])
        pltpu.sync_copy(deg_sh.at[pl.ds(sid * ROWS_PER_TILE, ROWS_PER_TILE)],
                        deg_hbm.at[cid, pl.ds(sid * ROWS_PER_TILE, ROWS_PER_TILE)])

    return agg(fhalf, src2d, dst2d)


def _combine(feat, sums, deg, W_self, W_neigh, bias2d):
    R = 2000
    dn = (((1,), (1,)), ((), ()))

    def body(feat_ref, sums_ref, deg_ref, ws_ref, wn_ref, b_ref, o_ref):
        d = deg_ref[0][:, :1] + deg_ref[1][:, :1]
        s = jnp.concatenate([sums_ref[0], sums_ref[1]], axis=1)
        hn = s * (1.0 / jnp.maximum(d, 1.0))
        o_ref[...] = (
            lax.dot_general(feat_ref[...], ws_ref[...], dn,
                            preferred_element_type=jnp.float32)
            + lax.dot_general(hn, wn_ref[...], dn,
                              preferred_element_type=jnp.float32)
            + b_ref[...]
        )

    return pl.pallas_call(
        body,
        grid=(N_NODES // R,),
        in_specs=[
            pl.BlockSpec((R, D), lambda i: (i, 0)),
            pl.BlockSpec((NC, R, DH), lambda i: (0, i, 0)),
            pl.BlockSpec((NC, R, 16), lambda i: (0, i, 0)),
            pl.BlockSpec((D, D), lambda i: (0, 0)),
            pl.BlockSpec((D, D), lambda i: (0, 0)),
            pl.BlockSpec((1, D), lambda i: (0, 0)),
        ],
        out_specs=pl.BlockSpec((R, D), lambda i: (i, 0)),
        out_shape=jax.ShapeDtypeStruct((N_NODES, D), jnp.float32),
    )(feat, sums, deg, W_self, W_neigh, bias2d)


def kernel(feat, edge_index, W_self, W_neigh, bias):
    E = edge_index.shape[1]
    fhalf = feat.reshape(2 * N_NODES, DH)
    stride = NS * CHUNK
    e_pad = ((E + stride - 1) // stride) * stride
    pad = e_pad - E
    src = jnp.concatenate(
        [edge_index[0], jnp.zeros((pad,), jnp.int32)]) if pad else edge_index[0]
    dst = jnp.concatenate(
        [edge_index[1], jnp.full((pad,), PARK, jnp.int32)]) if pad else edge_index[1]
    src2d = src.reshape(e_pad // CHUNK, CHUNK)
    dst2d = dst.reshape(e_pad // CHUNK, CHUNK)
    sums, deg = _sc_aggregate(fhalf, src2d, dst2d)
    return _combine(feat, sums, deg, W_self, W_neigh, bias.reshape(1, D))

# --- scband reference (transcript-rebuilt; emitter-appended) ---
"""Pipeline reference for scband-sageconv-7086696039141 (READ-ONLY COPY).

The authoritative reference and input builder live on the scoring server;
editing this copy changes nothing except your own understanding.
"""

import jax, jax.numpy as jnp
import numpy as np

N = 10000
E = 320000
D_IN = 128
D_OUT = 128


def _xavier_uniform(key, shape, gain):
    fan_out, fan_in = shape
    bound = gain * np.sqrt(6.0 / (fan_in + fan_out))
    return jax.random.uniform(key, shape, jnp.float32, -bound, bound)


def setup_inputs(seed: int = 0) -> dict:
    key = jax.random.key(seed)
    k1, k2, k3, k4 = jax.random.split(key, 4)
    feat = jax.random.normal(k1, (N, D_IN), dtype=jnp.float32)
    edge_index = jax.random.randint(k2, (2, E), 0, N, dtype=jnp.int32)
    gain = np.sqrt(2.0)  # relu gain
    W_self = _xavier_uniform(k3, (D_OUT, D_IN), gain)
    W_neigh = _xavier_uniform(k4, (D_OUT, D_IN), gain)
    bias = jnp.zeros((D_OUT,), dtype=jnp.float32)
    return {"feat": feat, "edge_index": edge_index, "W_self": W_self, "W_neigh": W_neigh, "bias": bias}


def reference(feat, edge_index, W_self, W_neigh, bias):
    # SAGEConv, aggregator_type='mean'.
    # lin_before_mp = in_feats(128) > out_feats(128) -> False, so linear AFTER aggregation.
    src = edge_index[0]
    dst = edge_index[1]
    num_nodes = feat.shape[0]
    # message: copy_u -> gather source features per edge
    m = jnp.take(feat, src, axis=0)
    # reduce: mean over mailbox at destination (zero-degree nodes -> 0)
    neigh_sum = jax.ops.segment_sum(m, dst, num_segments=num_nodes)
    deg = jax.ops.segment_sum(jnp.ones((m.shape[0],), dtype=feat.dtype), dst, num_segments=num_nodes)
    h_neigh = neigh_sum / jnp.maximum(deg, 1.0)[:, None]
    h_neigh = h_neigh @ W_neigh.T
    h_self = feat @ W_self.T
    rst = h_self + h_neigh + bias
    return rst

if __name__ == "__main__":
    import jax
    _d = setup_inputs()
    print(jax.jit(kernel)(*tuple(_d.values())))

</pallas_src>

<mosaic_0001>
#map = affine_map<(d0, d1) -> (0, 0)>
#map1 = affine_map<(d0, d1) -> (0, 0, 0)>
module attributes {stable_mosaic.version = 14 : i64} {
  func.func @agg(%arg0: i32, %arg1: i32, %arg2: memref<20000x64xf32, #tpu.memory_space<hbm>>, %arg3: memref<4000x80xi32, #tpu.memory_space<hbm>>, %arg4: memref<4000x80xi32, #tpu.memory_space<hbm>>, %arg5: memref<2x10112x64xf32, #tpu.memory_space<hbm>>, %arg6: memref<2x10112x16xf32, #tpu.memory_space<hbm>>, %arg7: memref<250x80xi32, #tpu.memory_space<vmem>>, %arg8: memref<250x80xi32, #tpu.memory_space<vmem>>, %arg9: memref<80xi32, #tpu.memory_space<vmem>>, %arg10: memref<80xi32, #tpu.memory_space<vmem>>, %arg11: memref<80xi32, #tpu.memory_space<vmem>>, %arg12: memref<80xi32, #tpu.memory_space<vmem>>, %arg13: memref<80xi32, #tpu.memory_space<vmem>>, %arg14: memref<80xi32, #tpu.memory_space<vmem>>, %arg15: memref<80xi32, #tpu.memory_space<vmem>>, %arg16: memref<80xi32, #tpu.memory_space<vmem>>, %arg17: memref<80xi32, #tpu.memory_space<vmem>>, %arg18: memref<80xi32, #tpu.memory_space<vmem>>, %arg19: memref<80xi32, #tpu.memory_space<vmem>>, %arg20: memref<80xi32, #tpu.memory_space<vmem>>, %arg21: memref<80x64xf32, #tpu.memory_space<vmem>>, %arg22: memref<80x64xf32, #tpu.memory_space<vmem>>, %arg23: memref<80x64xf32, #tpu.memory_space<vmem>>, %arg24: memref<80x64xf32, #tpu.memory_space<vmem>>, %arg25: memref<80x16xf32, #tpu.memory_space<vmem>>, %arg26: memref<79x64xf32, #tpu.memory_space<vmem>>, %arg27: memref<632x16xf32, #tpu.memory_space<vmem>>, %arg28: memref<10112x64xf32, #tpu.memory_space<vmem_shared>>, %arg29: memref<10112x16xf32, #tpu.memory_space<vmem_shared>>, %arg30: memref<!tpu.dma_semaphore, #tpu.memory_space<semaphore_mem>>, %arg31: memref<!tpu.dma_semaphore, #tpu.memory_space<semaphore_mem>>, %arg32: memref<!tpu.dma_semaphore, #tpu.memory_space<semaphore_mem>>, %arg33: memref<!tpu.dma_semaphore, #tpu.memory_space<semaphore_mem>>, %arg34: memref<!tpu.dma_semaphore, #tpu.memory_space<semaphore_mem>>, %arg35: memref<!tpu.dma_semaphore, #tpu.memory_space<semaphore_mem>>, %arg36: memref<!tpu.dma_semaphore, #tpu.memory_space<semaphore_mem>>, %arg37: memref<!tpu.dma_semaphore, #tpu.memory_space<semaphore_mem>>, %arg38: memref<!tpu.dma_semaphore, #tpu.memory_space<semaphore_mem>>, %arg39: memref<!tpu.dma_semaphore, #tpu.memory_space<semaphore_mem>>, %arg40: memref<!tpu.dma_semaphore, #tpu.memory_space<semaphore_mem>>, %arg41: memref<!tpu.dma_semaphore, #tpu.memory_space<semaphore_mem>>, %arg42: memref<!tpu.dma_semaphore, #tpu.memory_space<semaphore_mem>>) attributes {dimension_semantics = [#tpu.dimension_semantics<core_parallel>, #tpu.dimension_semantics<subcore_parallel>], iteration_bounds = array<i64: 2, 16>, scalar_prefetch = 0 : i64, scratch_operands = 36 : i64, tpu.core_type = #tpu.core_type<sc_vector_subcore>, window_params = [{transform_indices = #map}, {transform_indices = #map}, {transform_indices = #map}, {transform_indices = #map1}, {transform_indices = #map1}]} {
    %mul3A = arith.constant 250 : i32
    %mul3A_0 = arith.muli %arg1, %mul3A : i32
    %dma_start3A = arith.constant 0 : i32
    %dma_start3A_1 = tpu.memref_slice %arg3[%mul3A_0, %dma_start3A] : memref<4000x80xi32, #tpu.memory_space<hbm>> -> memref<250x80xi32, #tpu.memory_space<hbm>>
    %dma_start3A_2 = arith.constant 0 : i32
    %dma_start3A_3 = tpu.memref_slice %arg3[%mul3A_0, %dma_start3A_2] : memref<4000x80xi32, #tpu.memory_space<hbm>> -> memref<250x80xi32, #tpu.memory_space<hbm>>
    tpu.enqueue_dma source(%dma_start3A_3 : memref<250x80xi32, #tpu.memory_space<hbm>>) target(%arg7 : memref<250x80xi32, #tpu.memory_space<vmem>>) target_semaphore(%arg30 : memref<!tpu.dma_semaphore, #tpu.memory_space<semaphore_mem>>)
    %mul3A_4 = arith.constant 250 : i32
    %mul3A_5 = arith.muli %arg1, %mul3A_4 : i32
    %dma_start3A_6 = arith.constant 0 : i32
    %dma_start3A_7 = tpu.memref_slice %arg4[%mul3A_5, %dma_start3A_6] : memref<4000x80xi32, #tpu.memory_space<hbm>> -> memref<250x80xi32, #tpu.memory_space<hbm>>
    %dma_start3A_8 = arith.constant 0 : i32
    %dma_start3A_9 = tpu.memref_slice %arg4[%mul3A_5, %dma_start3A_8] : memref<4000x80xi32, #tpu.memory_space<hbm>> -> memref<250x80xi32, #tpu.memory_space<hbm>>
    tpu.enqueue_dma source(%dma_start3A_9 : memref<250x80xi32, #tpu.memory_space<hbm>>) target(%arg8 : memref<250x80xi32, #tpu.memory_space<vmem>>) target_semaphore(%arg30 : memref<!tpu.dma_semaphore, #tpu.memory_space<semaphore_mem>>)
    %broadcast_in_dim3A = arith.constant 0.000000e+00 : f32
    %broadcast_in_dim3A_10 = vector.broadcast %broadcast_in_dim3A : f32 to vector<16xf32>
    %broadcast_in_dim3A_11 = arith.constant 1.000000e+00 : f32
    %broadcast_in_dim3A_12 = vector.broadcast %broadcast_in_dim3A_11 : f32 to vector<16xf32>
    %scan3A = arith.constant 0 : i32
    %scan3A_13 = arith.constant 79 : i32
    %scan3A_14 = arith.addi %scan3A, %scan3A_13 : i32
    %scan3A_15 = arith.constant 1 : i32
    scf.for %scan3A_109 = %scan3A to %scan3A_14 step %scan3A_15  : i32 {
      %swap3A = arith.index_cast %scan3A_109 : i32 to index
      %swap3A_110 = arith.constant 0 : index
      %swap3A_111 = tpu.vector_load %arg26[%swap3A, %swap3A_110] {strides = array<i32>} : memref<79x64xf32, #tpu.memory_space<vmem>>, vector<1x16xf32>,
      %swap3A_112 = vector.shape_cast %swap3A_111 : vector<1x16xf32> to vector<16xf32>
      %swap3A_113 = vector.shape_cast %broadcast_in_dim3A_10 : vector<16xf32> to vector<1x16xf32>
      tpu.vector_store %arg26[%swap3A, %swap3A_110], %swap3A_113 {strides = array<i32>} : memref<79x64xf32, #tpu.memory_space<vmem>>, vector<1x16xf32>,
      %swap3A_114 = arith.index_cast %scan3A_109 : i32 to index
      %swap3A_115 = arith.constant 16 : index
      %swap3A_116 = tpu.vector_load %arg26[%swap3A_114, %swap3A_115] {strides = array<i32>} : memref<79x64xf32, #tpu.memory_space<vmem>>, vector<1x16xf32>,
      %swap3A_117 = vector.shape_cast %swap3A_116 : vector<1x16xf32> to vector<16xf32>
      %swap3A_118 = vector.shape_cast %broadcast_in_dim3A_10 : vector<16xf32> to vector<1x16xf32>
      tpu.vector_store %arg26[%swap3A_114, %swap3A_115], %swap3A_118 {strides = array<i32>} : memref<79x64xf32, #tpu.memory_space<vmem>>, vector<1x16xf32>,
      %swap3A_119 = arith.index_cast %scan3A_109 : i32 to index
      %swap3A_120 = arith.constant 32 : index
      %swap3A_121 = tpu.vector_load %arg26[%swap3A_119, %swap3A_120] {strides = array<i32>} : memref<79x64xf32, #tpu.memory_space<vmem>>, vector<1x16xf32>,
      %swap3A_122 = vector.shape_cast %swap3A_121 : vector<1x16xf32> to vector<16xf32>
      %swap3A_123 = vector.shape_cast %broadcast_in_dim3A_10 : vector<16xf32> to vector<1x16xf32>
      tpu.vector_store %arg26[%swap3A_119, %swap3A_120], %swap3A_123 {strides = array<i32>} : memref<79x64xf32, #tpu.memory_space<vmem>>, vector<1x16xf32>,
      %swap3A_124 = arith.index_cast %scan3A_109 : i32 to index
      %swap3A_125 = arith.constant 48 : index
      %swap3A_126 = tpu.vector_load %arg26[%swap3A_124, %swap3A_125] {strides = array<i32>} : memref<79x64xf32, #tpu.memory_space<vmem>>, vector<1x16xf32>,
      %swap3A_127 = vector.shape_cast %swap3A_126 : vector<1x16xf32> to vector<16xf32>
      %swap3A_128 = vector.shape_cast %broadcast_in_dim3A_10 : vector<16xf32> to vector<1x16xf32>
      tpu.vector_store %arg26[%swap3A_124, %swap3A_125], %swap3A_128 {strides = array<i32>} : memref<79x64xf32, #tpu.memory_space<vmem>>, vector<1x16xf32>,
    }
    %scan3A_16 = arith.constant 79 : i32
    %scan3A_17 = arith.constant 0 : i32
    %scan3A_18 = arith.constant 632 : i32
    %scan3A_19 = arith.addi %scan3A_17, %scan3A_18 : i32
    %scan3A_20 = arith.constant 1 : i32
    scf.for %scan3A_109 = %scan3A_17 to %scan3A_19 step %scan3A_20  : i32 {
      %swap3A = arith.index_cast %scan3A_109 : i32 to index
      %swap3A_110 = arith.constant 0 : index
      %swap3A_111 = tpu.vector_load %arg27[%swap3A, %swap3A_110] {strides = array<i32>} : memref<632x16xf32, #tpu.memory_space<vmem>>, vector<1x16xf32>,
      %swap3A_112 = vector.shape_cast %swap3A_111 : vector<1x16xf32> to vector<16xf32>
      %swap3A_113 = vector.shape_cast %broadcast_in_dim3A_10 : vector<16xf32> to vector<1x16xf32>
      tpu.vector_store %arg27[%swap3A, %swap3A_110], %swap3A_113 {strides = array<i32>} : memref<632x16xf32, #tpu.memory_space<vmem>>, vector<1x16xf32>,
    }
    %scan3A_21 = arith.constant 632 : i32
    %scan3A_22 = arith.constant 0 : i32
    %scan3A_23 = arith.constant 80 : i32
    %scan3A_24 = arith.addi %scan3A_22, %scan3A_23 : i32
    %scan3A_25 = arith.constant 1 : i32
    scf.for %scan3A_109 = %scan3A_22 to %scan3A_24 step %scan3A_25  : i32 {
      %swap3A = arith.index_cast %scan3A_109 : i32 to index
      %swap3A_110 = arith.constant 0 : index
      %swap3A_111 = tpu.vector_load %arg25[%swap3A, %swap3A_110] {strides = array<i32>} : memref<80x16xf32, #tpu.memory_space<vmem>>, vector<1x16xf32>,
      %swap3A_112 = vector.shape_cast %swap3A_111 : vector<1x16xf32> to vector<16xf32>
      %swap3A_113 = vector.shape_cast %broadcast_in_dim3A_12 : vector<16xf32> to vector<1x16xf32>
      tpu.vector_store %arg25[%swap3A, %swap3A_110], %swap3A_113 {strides = array<i32>} : memref<80x16xf32, #tpu.memory_space<vmem>>, vector<1x16xf32>,
    }
    %scan3A_26 = arith.constant 80 : i32
    %mul3A_27 = arith.constant 632 : i32
    %mul3A_28 = arith.muli %arg1, %mul3A_27 : i32
    %add3A = arith.constant 0 : i32
    %add3A_29 = arith.addi %mul3A_28, %add3A : i32
    "tpu.region"() ({
      %run_scoped3A = tpu.sem_alloc : memref<!tpu.dma_semaphore, #tpu.memory_space<semaphore_mem>>
      %dma_start3A_109 = arith.constant 0 : i32
      %dma_start3A_110 = tpu.memref_slice %arg28[%add3A_29, %dma_start3A_109] : memref<10112x64xf32, #tpu.memory_space<vmem_shared>> -> memref<79x64xf32, #tpu.memory_space<vmem_shared>>
      %dma_start3A_111 = arith.constant 0 : i32
      %dma_start3A_112 = tpu.memref_slice %arg28[%add3A_29, %dma_start3A_111] : memref<10112x64xf32, #tpu.memory_space<vmem_shared>> -> memref<79x64xf32, #tpu.memory_space<vmem_shared>>
      tpu.enqueue_dma source(%arg26 : memref<79x64xf32, #tpu.memory_space<vmem>>) target(%dma_start3A_112 : memref<79x64xf32, #tpu.memory_space<vmem_shared>>) target_semaphore(%run_scoped3A : memref<!tpu.dma_semaphore, #tpu.memory_space<semaphore_mem>>)
      %dma_wait3A_113 = arith.constant 0 : i32
      %dma_wait3A_114 = tpu.memref_slice %arg28[%add3A_29, %dma_wait3A_113] : memref<10112x64xf32, #tpu.memory_space<vmem_shared>> -> memref<79x64xf32, #tpu.memory_space<vmem_shared>>
      %dma_wait3A_115 = arith.constant 0 : i32
      %dma_wait3A_116 = tpu.memref_slice %arg28[%add3A_29, %dma_wait3A_115] : memref<10112x64xf32, #tpu.memory_space<vmem_shared>> -> memref<79x64xf32, #tpu.memory_space<vmem_shared>>
      tpu.wait_dma2 semaphore(%run_scoped3A : memref<!tpu.dma_semaphore, #tpu.memory_space<semaphore_mem>>) src(%arg26 : memref<79x64xf32, #tpu.memory_space<vmem>>) dst(%dma_wait3A_116 : memref<79x64xf32, #tpu.memory_space<vmem_shared>>)
      tpu.yield
    }) : () -> ()
    %mul3A_30 = arith.constant 632 : i32
    %mul3A_31 = arith.muli %arg1, %mul3A_30 : i32
    %add3A_32 = arith.constant 79 : i32
    %add3A_33 = arith.addi %mul3A_31, %add3A_32 : i32
    "tpu.region"() ({
      %run_scoped3A = tpu.sem_alloc : memref<!tpu.dma_semaphore, #tpu.memory_space<semaphore_mem>>
      %dma_start3A_109 = arith.constant 0 : i32
      %dma_start3A_110 = tpu.memref_slice %arg28[%add3A_33, %dma_start3A_109] : memref<10112x64xf32, #tpu.memory_space<vmem_shared>> -> memref<79x64xf32, #tpu.memory_space<vmem_shared>>
      %dma_start3A_111 = arith.constant 0 : i32
      %dma_start3A_112 = tpu.memref_slice %arg28[%add3A_33, %dma_start3A_111] : memref<10112x64xf32, #tpu.memory_space<vmem_shared>> -> memref<79x64xf32, #tpu.memory_space<vmem_shared>>
      tpu.enqueue_dma source(%arg26 : memref<79x64xf32, #tpu.memory_space<vmem>>) target(%dma_start3A_112 : memref<79x64xf32, #tpu.memory_space<vmem_shared>>) target_semaphore(%run_scoped3A : memref<!tpu.dma_semaphore, #tpu.memory_space<semaphore_mem>>)
      %dma_wait3A_113 = arith.constant 0 : i32
      %dma_wait3A_114 = tpu.memref_slice %arg28[%add3A_33, %dma_wait3A_113] : memref<10112x64xf32, #tpu.memory_space<vmem_shared>> -> memref<79x64xf32, #tpu.memory_space<vmem_shared>>
      %dma_wait3A_115 = arith.constant 0 : i32
      %dma_wait3A_116 = tpu.memref_slice %arg28[%add3A_33, %dma_wait3A_115] : memref<10112x64xf32, #tpu.memory_space<vmem_shared>> -> memref<79x64xf32, #tpu.memory_space<vmem_shared>>
      tpu.wait_dma2 semaphore(%run_scoped3A : memref<!tpu.dma_semaphore, #tpu.memory_space<semaphore_mem>>) src(%arg26 : memref<79x64xf32, #tpu.memory_space<vmem>>) dst(%dma_wait3A_116 : memref<79x64xf32, #tpu.memory_space<vmem_shared>>)
      tpu.yield
    }) : () -> ()
    %mul3A_34 = arith.constant 632 : i32
    %mul3A_35 = arith.muli %arg1, %mul3A_34 : i32
    %add3A_36 = arith.constant 158 : i32
    %add3A_37 = arith.addi %mul3A_35, %add3A_36 : i32
    "tpu.region"() ({
      %run_scoped3A = tpu.sem_alloc : memref<!tpu.dma_semaphore, #tpu.memory_space<semaphore_mem>>
      %dma_start3A_109 = arith.constant 0 : i32
      %dma_start3A_110 = tpu.memref_slice %arg28[%add3A_37, %dma_start3A_109] : memref<10112x64xf32, #tpu.memory_space<vmem_shared>> -> memref<79x64xf32, #tpu.memory_space<vmem_shared>>
      %dma_start3A_111 = arith.constant 0 : i32
      %dma_start3A_112 = tpu.memref_slice %arg28[%add3A_37, %dma_start3A_111] : memref<10112x64xf32, #tpu.memory_space<vmem_shared>> -> memref<79x64xf32, #tpu.memory_space<vmem_shared>>
      tpu.enqueue_dma source(%arg26 : memref<79x64xf32, #tpu.memory_space<vmem>>) target(%dma_start3A_112 : memref<79x64xf32, #tpu.memory_space<vmem_shared>>) target_semaphore(%run_scoped3A : memref<!tpu.dma_semaphore, #tpu.memory_space<semaphore_mem>>)
      %dma_wait3A_113 = arith.constant 0 : i32
      %dma_wait3A_114 = tpu.memref_slice %arg28[%add3A_37, %dma_wait3A_113] : memref<10112x64xf32, #tpu.memory_space<vmem_shared>> -> memref<79x64xf32, #tpu.memory_space<vmem_shared>>
      %dma_wait3A_115 = arith.constant 0 : i32
      %dma_wait3A_116 = tpu.memref_slice %arg28[%add3A_37, %dma_wait3A_115] : memref<10112x64xf32, #tpu.memory_space<vmem_shared>> -> memref<79x64xf32, #tpu.memory_space<vmem_shared>>
      tpu.wait_dma2 semaphore(%run_scoped3A : memref<!tpu.dma_semaphore, #tpu.memory_space<semaphore_mem>>) src(%arg26 : memref<79x64xf32, #tpu.memory_space<vmem>>) dst(%dma_wait3A_116 : memref<79x64xf32, #tpu.memory_space<vmem_shared>>)
      tpu.yield
    }) : () -> ()
    %mul3A_38 = arith.constant 632 : i32
    %mul3A_39 = arith.muli %arg1, %mul3A_38 : i32
    %add3A_40 = arith.constant 237 : i32
    %add3A_41 = arith.addi %mul3A_39, %add3A_40 : i32
    "tpu.region"() ({
      %run_scoped3A = tpu.sem_alloc : memref<!tpu.dma_semaphore, #tpu.memory_space<semaphore_mem>>
      %dma_start3A_109 = arith.constant 0 : i32
      %dma_start3A_110 = tpu.memref_slice %arg28[%add3A_41, %dma_start3A_109] : memref<10112x64xf32, #tpu.memory_space<vmem_shared>> -> memref<79x64xf32, #tpu.memory_space<vmem_shared>>
      %dma_start3A_111 = arith.constant 0 : i32
      %dma_start3A_112 = tpu.memref_slice %arg28[%add3A_41, %dma_start3A_111] : memref<10112x64xf32, #tpu.memory_space<vmem_shared>> -> memref<79x64xf32, #tpu.memory_space<vmem_shared>>
      tpu.enqueue_dma source(%arg26 : memref<79x64xf32, #tpu.memory_space<vmem>>) target(%dma_start3A_112 : memref<79x64xf32, #tpu.memory_space<vmem_shared>>) target_semaphore(%run_scoped3A : memref<!tpu.dma_semaphore, #tpu.memory_space<semaphore_mem>>)
      %dma_wait3A_113 = arith.constant 0 : i32
      %dma_wait3A_114 = tpu.memref_slice %arg28[%add3A_41, %dma_wait3A_113] : memref<10112x64xf32, #tpu.memory_space<vmem_shared>> -> memref<79x64xf32, #tpu.memory_space<vmem_shared>>
      %dma_wait3A_115 = arith.constant 0 : i32
      %dma_wait3A_116 = tpu.memref_slice %arg28[%add3A_41, %dma_wait3A_115] : memref<10112x64xf32, #tpu.memory_space<vmem_shared>> -> memref<79x64xf32, #tpu.memory_space<vmem_shared>>
      tpu.wait_dma2 semaphore(%run_scoped3A : memref<!tpu.dma_semaphore, #tpu.memory_space<semaphore_mem>>) src(%arg26 : memref<79x64xf32, #tpu.memory_space<vmem>>) dst(%dma_wait3A_116 : memref<79x64xf32, #tpu.memory_space<vmem_shared>>)
      tpu.yield
    }) : () -> ()
    %mul3A_42 = arith.constant 632 : i32
    %mul3A_43 = arith.muli %arg1, %mul3A_42 : i32
    %add3A_44 = arith.constant 316 : i32
    %add3A_45 = arith.addi %mul3A_43, %add3A_44 : i32
    "tpu.region"() ({
      %run_scoped3A = tpu.sem_alloc : memref<!tpu.dma_semaphore, #tpu.memory_space<semaphore_mem>>
      %dma_start3A_109 = arith.constant 0 : i32
      %dma_start3A_110 = tpu.memref_slice %arg28[%add3A_45, %dma_start3A_109] : memref<10112x64xf32, #tpu.memory_space<vmem_shared>> -> memref<79x64xf32, #tpu.memory_space<vmem_shared>>
      %dma_start3A_111 = arith.constant 0 : i32
      %dma_start3A_112 = tpu.memref_slice %arg28[%add3A_45, %dma_start3A_111] : memref<10112x64xf32, #tpu.memory_space<vmem_shared>> -> memref<79x64xf32, #tpu.memory_space<vmem_shared>>
      tpu.enqueue_dma source(%arg26 : memref<79x64xf32, #tpu.memory_space<vmem>>) target(%dma_start3A_112 : memref<79x64xf32, #tpu.memory_space<vmem_shared>>) target_semaphore(%run_scoped3A : memref<!tpu.dma_semaphore, #tpu.memory_space<semaphore_mem>>)
      %dma_wait3A_113 = arith.constant 0 : i32
      %dma_wait3A_114 = tpu.memref_slice %arg28[%add3A_45, %dma_wait3A_113] : memref<10112x64xf32, #tpu.memory_space<vmem_shared>> -> memref<79x64xf32, #tpu.memory_space<vmem_shared>>
      %dma_wait3A_115 = arith.constant 0 : i32
      %dma_wait3A_116 = tpu.memref_slice %arg28[%add3A_45, %dma_wait3A_115] : memref<10112x64xf32, #tpu.memory_space<vmem_shared>> -> memref<79x64xf32, #tpu.memory_space<vmem_shared>>
      tpu.wait_dma2 semaphore(%run_scoped3A : memref<!tpu.dma_semaphore, #tpu.memory_space<semaphore_mem>>) src(%arg26 : memref<79x64xf32, #tpu.memory_space<vmem>>) dst(%dma_wait3A_116 : memref<79x64xf32, #tpu.memory_space<vmem_shared>>)
      tpu.yield
    }) : () -> ()
    %mul3A_46 = arith.constant 632 : i32
    %mul3A_47 = arith.muli %arg1, %mul3A_46 : i32
    %add3A_48 = arith.constant 395 : i32
    %add3A_49 = arith.addi %mul3A_47, %add3A_48 : i32
    "tpu.region"() ({
      %run_scoped3A = tpu.sem_alloc : memref<!tpu.dma_semaphore, #tpu.memory_space<semaphore_mem>>
      %dma_start3A_109 = arith.constant 0 : i32
      %dma_start3A_110 = tpu.memref_slice %arg28[%add3A_49, %dma_start3A_109] : memref<10112x64xf32, #tpu.memory_space<vmem_shared>> -> memref<79x64xf32, #tpu.memory_space<vmem_shared>>
      %dma_start3A_111 = arith.constant 0 : i32
      %dma_start3A_112 = tpu.memref_slice %arg28[%add3A_49, %dma_start3A_111] : memref<10112x64xf32, #tpu.memory_space<vmem_shared>> -> memref<79x64xf32, #tpu.memory_space<vmem_shared>>
      tpu.enqueue_dma source(%arg26 : memref<79x64xf32, #tpu.memory_space<vmem>>) target(%dma_start3A_112 : memref<79x64xf32, #tpu.memory_space<vmem_shared>>) target_semaphore(%run_scoped3A : memref<!tpu.dma_semaphore, #tpu.memory_space<semaphore_mem>>)
      %dma_wait3A_113 = arith.constant 0 : i32
      %dma_wait3A_114 = tpu.memref_slice %arg28[%add3A_49, %dma_wait3A_113] : memref<10112x64xf32, #tpu.memory_space<vmem_shared>> -> memref<79x64xf32, #tpu.memory_space<vmem_shared>>
      %dma_wait3A_115 = arith.constant 0 : i32
      %dma_wait3A_116 = tpu.memref_slice %arg28[%add3A_49, %dma_wait3A_115] : memref<10112x64xf32, #tpu.memory_space<vmem_shared>> -> memref<79x64xf32, #tpu.memory_space<vmem_shared>>
      tpu.wait_dma2 semaphore(%run_scoped3A : memref<!tpu.dma_semaphore, #tpu.memory_space<semaphore_mem>>) src(%arg26 : memref<79x64xf32, #tpu.memory_space<vmem>>) dst(%dma_wait3A_116 : memref<79x64xf32, #tpu.memory_space<vmem_shared>>)
      tpu.yield
    }) : () -> ()
    %mul3A_50 = arith.constant 632 : i32
    %mul3A_51 = arith.muli %arg1, %mul3A_50 : i32
    %add3A_52 = arith.constant 474 : i32
    %add3A_53 = arith.addi %mul3A_51, %add3A_52 : i32
    "tpu.region"() ({
      %run_scoped3A = tpu.sem_alloc : memref<!tpu.dma_semaphore, #tpu.memory_space<semaphore_mem>>
      %dma_start3A_109 = arith.constant 0 : i32
      %dma_start3A_110 = tpu.memref_slice %arg28[%add3A_53, %dma_start3A_109] : memref<10112x64xf32, #tpu.memory_space<vmem_shared>> -> memref<79x64xf32, #tpu.memory_space<vmem_shared>>
      %dma_start3A_111 = arith.constant 0 : i32
      %dma_start3A_112 = tpu.memref_slice %arg28[%add3A_53, %dma_start3A_111] : memref<10112x64xf32, #tpu.memory_space<vmem_shared>> -> memref<79x64xf32, #tpu.memory_space<vmem_shared>>
      tpu.enqueue_dma source(%arg26 : memref<79x64xf32, #tpu.memory_space<vmem>>) target(%dma_start3A_112 : memref<79x64xf32, #tpu.memory_space<vmem_shared>>) target_semaphore(%run_scoped3A : memref<!tpu.dma_semaphore, #tpu.memory_space<semaphore_mem>>)
      %dma_wait3A_113 = arith.constant 0 : i32
      %dma_wait3A_114 = tpu.memref_slice %arg28[%add3A_53, %dma_wait3A_113] : memref<10112x64xf32, #tpu.memory_space<vmem_shared>> -> memref<79x64xf32, #tpu.memory_space<vmem_shared>>
      %dma_wait3A_115 = arith.constant 0 : i32
      %dma_wait3A_116 = tpu.memref_slice %arg28[%add3A_53, %dma_wait3A_115] : memref<10112x64xf32, #tpu.memory_space<vmem_shared>> -> memref<79x64xf32, #tpu.memory_space<vmem_shared>>
      tpu.wait_dma2 semaphore(%run_scoped3A : memref<!tpu.dma_semaphore, #tpu.memory_space<semaphore_mem>>) src(%arg26 : memref<79x64xf32, #tpu.memory_space<vmem>>) dst(%dma_wait3A_116 : memref<79x64xf32, #tpu.memory_space<vmem_shared>>)
      tpu.yield
    }) : () -> ()
    %mul3A_54 = arith.constant 632 : i32
    %mul3A_55 = arith.muli %arg1, %mul3A_54 : i32
    %add3A_56 = arith.constant 553 : i32
    %add3A_57 = arith.addi %mul3A_55, %add3A_56 : i32
    "tpu.region"() ({
      %run_scoped3A = tpu.sem_alloc : memref<!tpu.dma_semaphore, #tpu.memory_space<semaphore_mem>>
      %dma_start3A_109 = arith.constant 0 : i32
      %dma_start3A_110 = tpu.memref_slice %arg28[%add3A_57, %dma_start3A_109] : memref<10112x64xf32, #tpu.memory_space<vmem_shared>> -> memref<79x64xf32, #tpu.memory_space<vmem_shared>>
      %dma_start3A_111 = arith.constant 0 : i32
      %dma_start3A_112 = tpu.memref_slice %arg28[%add3A_57, %dma_start3A_111] : memref<10112x64xf32, #tpu.memory_space<vmem_shared>> -> memref<79x64xf32, #tpu.memory_space<vmem_shared>>
      tpu.enqueue_dma source(%arg26 : memref<79x64xf32, #tpu.memory_space<vmem>>) target(%dma_start3A_112 : memref<79x64xf32, #tpu.memory_space<vmem_shared>>) target_semaphore(%run_scoped3A : memref<!tpu.dma_semaphore, #tpu.memory_space<semaphore_mem>>)
      %dma_wait3A_113 = arith.constant 0 : i32
      %dma_wait3A_114 = tpu.memref_slice %arg28[%add3A_57, %dma_wait3A_113] : memref<10112x64xf32, #tpu.memory_space<vmem_shared>> -> memref<79x64xf32, #tpu.memory_space<vmem_shared>>
      %dma_wait3A_115 = arith.constant 0 : i32
      %dma_wait3A_116 = tpu.memref_slice %arg28[%add3A_57, %dma_wait3A_115] : memref<10112x64xf32, #tpu.memory_space<vmem_shared>> -> memref<79x64xf32, #tpu.memory_space<vmem_shared>>
      tpu.wait_dma2 semaphore(%run_scoped3A : memref<!tpu.dma_semaphore, #tpu.memory_space<semaphore_mem>>) src(%arg26 : memref<79x64xf32, #tpu.memory_space<vmem>>) dst(%dma_wait3A_116 : memref<79x64xf32, #tpu.memory_space<vmem_shared>>)
      tpu.yield
    }) : () -> ()
    %mul3A_58 = arith.constant 632 : i32
    %mul3A_59 = arith.muli %arg1, %mul3A_58 : i32
    "tpu.region"() ({
      %run_scoped3A = tpu.sem_alloc : memref<!tpu.dma_semaphore, #tpu.memory_space<semaphore_mem>>
      %dma_start3A_109 = arith.constant 0 : i32
      %dma_start3A_110 = tpu.memref_slice %arg29[%mul3A_59, %dma_start3A_109] : memref<10112x16xf32, #tpu.memory_space<vmem_shared>> -> memref<632x16xf32, #tpu.memory_space<vmem_shared>>
      %dma_start3A_111 = arith.constant 0 : i32
      %dma_start3A_112 = tpu.memref_slice %arg29[%mul3A_59, %dma_start3A_111] : memref<10112x16xf32, #tpu.memory_space<vmem_shared>> -> memref<632x16xf32, #tpu.memory_space<vmem_shared>>
      tpu.enqueue_dma source(%arg27 : memref<632x16xf32, #tpu.memory_space<vmem>>) target(%dma_start3A_112 : memref<632x16xf32, #tpu.memory_space<vmem_shared>>) target_semaphore(%run_scoped3A : memref<!tpu.dma_semaphore, #tpu.memory_space<semaphore_mem>>)
      %dma_wait3A_113 = arith.constant 0 : i32
      %dma_wait3A_114 = tpu.memref_slice %arg29[%mul3A_59, %dma_wait3A_113] : memref<10112x16xf32, #tpu.memory_space<vmem_shared>> -> memref<632x16xf32, #tpu.memory_space<vmem_shared>>
      %dma_wait3A_115 = arith.constant 0 : i32
      %dma_wait3A_116 = tpu.memref_slice %arg29[%mul3A_59, %dma_wait3A_115] : memref<10112x16xf32, #tpu.memory_space<vmem_shared>> -> memref<632x16xf32, #tpu.memory_space<vmem_shared>>
      tpu.wait_dma2 semaphore(%run_scoped3A : memref<!tpu.dma_semaphore, #tpu.memory_space<semaphore_mem>>) src(%arg27 : memref<632x16xf32, #tpu.memory_space<vmem>>) dst(%dma_wait3A_116 : memref<632x16xf32, #tpu.memory_space<vmem_shared>>)
      tpu.yield
    }) : () -> ()
    %mul3A_60 = arith.constant 250 : i32
    %mul3A_61 = arith.muli %arg1, %mul3A_60 : i32
    %dma_wait3A = arith.constant 0 : i32
    %dma_wait3A_62 = tpu.memref_slice %arg3[%mul3A_61, %dma_wait3A] : memref<4000x80xi32, #tpu.memory_space<hbm>> -> memref<250x80xi32, #tpu.memory_space<hbm>>
    %dma_wait3A_63 = arith.constant 0 : i32
    %dma_wait3A_64 = tpu.memref_slice %arg3[%mul3A_61, %dma_wait3A_63] : memref<4000x80xi32, #tpu.memory_space<hbm>> -> memref<250x80xi32, #tpu.memory_space<hbm>>
    tpu.wait_dma2 semaphore(%arg30 : memref<!tpu.dma_semaphore, #tpu.memory_space<semaphore_mem>>) src(%dma_wait3A_64 : memref<250x80xi32, #tpu.memory_space<hbm>>) dst(%arg7 : memref<250x80xi32, #tpu.memory_space<vmem>>)
    %mul3A_65 = arith.constant 250 : i32
    %mul3A_66 = arith.muli %arg1, %mul3A_65 : i32
    %dma_wait3A_67 = arith.constant 0 : i32
    %dma_wait3A_68 = tpu.memref_slice %arg4[%mul3A_66, %dma_wait3A_67] : memref<4000x80xi32, #tpu.memory_space<hbm>> -> memref<250x80xi32, #tpu.memory_space<hbm>>
    %dma_wait3A_69 = arith.constant 0 : i32
    %dma_wait3A_70 = tpu.memref_slice %arg4[%mul3A_66, %dma_wait3A_69] : memref<4000x80xi32, #tpu.memory_space<hbm>> -> memref<250x80xi32, #tpu.memory_space<hbm>>
    tpu.wait_dma2 semaphore(%arg30 : memref<!tpu.dma_semaphore, #tpu.memory_space<semaphore_mem>>) src(%dma_wait3A_70 : memref<250x80xi32, #tpu.memory_space<hbm>>) dst(%arg8 : memref<250x80xi32, #tpu.memory_space<vmem>>)
    %barrier3A = arith.constant 0 : index
    tpu.barrier barrier_id(%barrier3A)
    %scan3A_71 = arith.constant 0 : i32
    %scan3A_72 = arith.constant 63 : i32
    %scan3A_73 = arith.addi %scan3A_71, %scan3A_72 : i32
    %scan3A_74 = arith.constant 1 : i32
    scf.for %scan3A_109 = %scan3A_71 to %scan3A_73 step %scan3A_74  : i32 {
      %mul3A_110 = arith.constant 4 : i32
      %mul3A_111 = arith.muli %scan3A_109, %mul3A_110 : i32
      %add3A_112 = arith.constant 0 : i32
      %add3A_113 = arith.addi %mul3A_111, %add3A_112 : i32
      %ge3A = arith.constant 4 : i32
      %ge3A_114 = arith.cmpi sge, %add3A_113, %ge3A : i32
      %lt3A = arith.constant 250 : i32
      %lt3A_115 = arith.cmpi slt, %add3A_113, %lt3A : i32
      %and3A = arith.andi %ge3A_114, %lt3A_115 : i1
      %convert_element_type3A = arith.extui %and3A : i1 to i32
      %cond3A = arith.constant 0 : i32
      %cond3A_116 = arith.cmpi ne, %convert_element_type3A, %cond3A : i32
      scf.if %cond3A_116 {
        %dma_wait3A_275 = arith.constant 0 : i32
        %dma_wait3A_276 = arith.constant 0 : i32
        %dma_wait3A_277 = tpu.memref_slice %arg28[%dma_wait3A_275, %dma_wait3A_276] : memref<10112x64xf32, #tpu.memory_space<vmem_shared>> -> memref<10112x64xf32, #tpu.memory_space<vmem_shared>>
        tpu.wait_indirect_dma semaphore(%arg35 : memref<!tpu.dma_semaphore, #tpu.memory_space<semaphore_mem>>) src(%arg21 : memref<80x64xf32, #tpu.memory_space<vmem>>) dst(%dma_wait3A_277 : memref<10112x64xf32, #tpu.memory_space<vmem_shared>>)
      } else {
      }
      %lt3A_117 = arith.constant 250 : i32
      %lt3A_118 = arith.cmpi slt, %add3A_113, %lt3A_117 : i32
      %convert_element_type3A_119 = arith.extui %lt3A_118 : i1 to i32
      %cond3A_120 = arith.constant 0 : i32
      %cond3A_121 = arith.cmpi ne, %convert_element_type3A_119, %cond3A_120 : i32
      scf.if %cond3A_121 {
        %get3A = arith.index_cast %add3A_113 : i32 to index
        %get3A_275 = arith.constant 0 : index
        %get3A_276 = tpu.vector_load %arg7[%get3A, %get3A_275] {strides = array<i32>} : memref<250x80xi32, #tpu.memory_space<vmem>>, vector<1x16xi32>,
        %get3A_277 = vector.shape_cast %get3A_276 : vector<1x16xi32> to vector<16xi32>
        %mul3A_278 = arith.constant 2 : i32
        %mul3A_279 = vector.broadcast %mul3A_278 : i32 to vector<16xi32>
        %mul3A_280 = arith.muli %get3A_277, %mul3A_279 : vector<16xi32>
        %add3A_281 = vector.broadcast %arg0 : i32 to vector<16xi32>
        %add3A_282 = arith.addi %mul3A_280, %add3A_281 : vector<16xi32>
        %swap3A = arith.constant 0 : index
        %swap3A_283 = tpu.vector_load %arg9[%swap3A] {strides = array<i32>} : memref<80xi32, #tpu.memory_space<vmem>>, vector<16xi32>,
        %swap3A_284 = vector.shape_cast %swap3A_283 : vector<16xi32> to vector<16xi32>
        %swap3A_285 = vector.shape_cast %add3A_282 : vector<16xi32> to vector<16xi32>
        tpu.vector_store %arg9[%swap3A], %swap3A_285 {strides = array<i32>} : memref<80xi32, #tpu.memory_space<vmem>>, vector<16xi32>,
        %get3A_286 = arith.index_cast %add3A_113 : i32 to index
        %get3A_287 = arith.constant 0 : index
        %get3A_288 = tpu.vector_load %arg8[%get3A_286, %get3A_287] {strides = array<i32>} : memref<250x80xi32, #tpu.memory_space<vmem>>, vector<1x16xi32>,
        %get3A_289 = vector.shape_cast %get3A_288 : vector<1x16xi32> to vector<16xi32>
        %swap3A_290 = arith.constant 0 : index
        %swap3A_291 = tpu.vector_load %arg13[%swap3A_290] {strides = array<i32>} : memref<80xi32, #tpu.memory_space<vmem>>, vector<16xi32>,
        %swap3A_292 = vector.shape_cast %swap3A_291 : vector<16xi32> to vector<16xi32>
        %swap3A_293 = vector.shape_cast %get3A_289 : vector<16xi32> to vector<16xi32>
        tpu.vector_store %arg13[%swap3A_290], %swap3A_293 {strides = array<i32>} : memref<80xi32, #tpu.memory_space<vmem>>, vector<16xi32>,
        %get3A_294 = arith.index_cast %add3A_113 : i32 to index
        %get3A_295 = arith.constant 16 : index
        %get3A_296 = tpu.vector_load %arg7[%get3A_294, %get3A_295] {strides = array<i32>} : memref<250x80xi32, #tpu.memory_space<vmem>>, vector<1x16xi32>,
        %get3A_297 = vector.shape_cast %get3A_296 : vector<1x16xi32> to vector<16xi32>
        %mul3A_298 = arith.constant 2 : i32
        %mul3A_299 = vector.broadcast %mul3A_298 : i32 to vector<16xi32>
        %mul3A_300 = arith.muli %get3A_297, %mul3A_299 : vector<16xi32>
        %add3A_301 = vector.broadcast %arg0 : i32 to vector<16xi32>
        %add3A_302 = arith.addi %mul3A_300, %add3A_301 : vector<16xi32>
        %swap3A_303 = arith.constant 16 : index
        %swap3A_304 = tpu.vector_load %arg9[%swap3A_303] {strides = array<i32>} : memref<80xi32, #tpu.memory_space<vmem>>, vector<16xi32>,
        %swap3A_305 = vector.shape_cast %swap3A_304 : vector<16xi32> to vector<16xi32>
        %swap3A_306 = vector.shape_cast %add3A_302 : vector<16xi32> to vector<16xi32>
        tpu.vector_store %arg9[%swap3A_303], %swap3A_306 {strides = array<i32>} : memref<80xi32, #tpu.memory_space<vmem>>, vector<16xi32>,
        %get3A_307 = arith.index_cast %add3A_113 : i32 to index
        %get3A_308 = arith.constant 16 : index
        %get3A_309 = tpu.vector_load %arg8[%get3A_307, %get3A_308] {strides = array<i32>} : memref<250x80xi32, #tpu.memory_space<vmem>>, vector<1x16xi32>,
        %get3A_310 = vector.shape_cast %get3A_309 : vector<1x16xi32> to vector<16xi32>
        %swap3A_311 = arith.constant 16 : index
        %swap3A_312 = tpu.vector_load %arg13[%swap3A_311] {strides = array<i32>} : memref<80xi32, #tpu.memory_space<vmem>>, vector<16xi32>,
        %swap3A_313 = vector.shape_cast %swap3A_312 : vector<16xi32> to vector<16xi32>
        %swap3A_314 = vector.shape_cast %get3A_310 : vector<16xi32> to vector<16xi32>
        tpu.vector_store %arg13[%swap3A_311], %swap3A_314 {strides = array<i32>} : memref<80xi32, #tpu.memory_space<vmem>>, vector<16xi32>,
        %get3A_315 = arith.index_cast %add3A_113 : i32 to index
        %get3A_316 = arith.constant 32 : index
        %get3A_317 = tpu.vector_load %arg7[%get3A_315, %get3A_316] {strides = array<i32>} : memref<250x80xi32, #tpu.memory_space<vmem>>, vector<1x16xi32>,
        %get3A_318 = vector.shape_cast %get3A_317 : vector<1x16xi32> to vector<16xi32>
        %mul3A_319 = arith.constant 2 : i32
        %mul3A_320 = vector.broadcast %mul3A_319 : i32 to vector<16xi32>
        %mul3A_321 = arith.muli %get3A_318, %mul3A_320 : vector<16xi32>
        %add3A_322 = vector.broadcast %arg0 : i32 to vector<16xi32>
        %add3A_323 = arith.addi %mul3A_321, %add3A_322 : vector<16xi32>
        %swap3A_324 = arith.constant 32 : index
        %swap3A_325 = tpu.vector_load %arg9[%swap3A_324] {strides = array<i32>} : memref<80xi32, #tpu.memory_space<vmem>>, vector<16xi32>,
        %swap3A_326 = vector.shape_cast %swap3A_325 : vector<16xi32> to vector<16xi32>
        %swap3A_327 = vector.shape_cast %add3A_323 : vector<16xi32> to vector<16xi32>
        tpu.vector_store %arg9[%swap3A_324], %swap3A_327 {strides = array<i32>} : memref<80xi32, #tpu.memory_space<vmem>>, vector<16xi32>,
        %get3A_328 = arith.index_cast %add3A_113 : i32 to index
        %get3A_329 = arith.constant 32 : index
        %get3A_330 = tpu.vector_load %arg8[%get3A_328, %get3A_329] {strides = array<i32>} : memref<250x80xi32, #tpu.memory_space<vmem>>, vector<1x16xi32>,
        %get3A_331 = vector.shape_cast %get3A_330 : vector<1x16xi32> to vector<16xi32>
        %swap3A_332 = arith.constant 32 : index
        %swap3A_333 = tpu.vector_load %arg13[%swap3A_332] {strides = array<i32>} : memref<80xi32, #tpu.memory_space<vmem>>, vector<16xi32>,
        %swap3A_334 = vector.shape_cast %swap3A_333 : vector<16xi32> to vector<16xi32>
        %swap3A_335 = vector.shape_cast %get3A_331 : vector<16xi32> to vector<16xi32>
        tpu.vector_store %arg13[%swap3A_332], %swap3A_335 {strides = array<i32>} : memref<80xi32, #tpu.memory_space<vmem>>, vector<16xi32>,
        %get3A_336 = arith.index_cast %add3A_113 : i32 to index
        %get3A_337 = arith.constant 48 : index
        %get3A_338 = tpu.vector_load %arg7[%get3A_336, %get3A_337] {strides = array<i32>} : memref<250x80xi32, #tpu.memory_space<vmem>>, vector<1x16xi32>,
        %get3A_339 = vector.shape_cast %get3A_338 : vector<1x16xi32> to vector<16xi32>
        %mul3A_340 = arith.constant 2 : i32
        %mul3A_341 = vector.broadcast %mul3A_340 : i32 to vector<16xi32>
        %mul3A_342 = arith.muli %get3A_339, %mul3A_341 : vector<16xi32>
        %add3A_343 = vector.broadcast %arg0 : i32 to vector<16xi32>
        %add3A_344 = arith.addi %mul3A_342, %add3A_343 : vector<16xi32>
        %swap3A_345 = arith.constant 48 : index
        %swap3A_346 = tpu.vector_load %arg9[%swap3A_345] {strides = array<i32>} : memref<80xi32, #tpu.memory_space<vmem>>, vector<16xi32>,
        %swap3A_347 = vector.shape_cast %swap3A_346 : vector<16xi32> to vector<16xi32>
        %swap3A_348 = vector.shape_cast %add3A_344 : vector<16xi32> to vector<16xi32>
        tpu.vector_store %arg9[%swap3A_345], %swap3A_348 {strides = array<i32>} : memref<80xi32, #tpu.memory_space<vmem>>, vector<16xi32>,
        %get3A_349 = arith.index_cast %add3A_113 : i32 to index
        %get3A_350 = arith.constant 48 : index
        %get3A_351 = tpu.vector_load %arg8[%get3A_349, %get3A_350] {strides = array<i32>} : memref<250x80xi32, #tpu.memory_space<vmem>>, vector<1x16xi32>,
        %get3A_352 = vector.shape_cast %get3A_351 : vector<1x16xi32> to vector<16xi32>
        %swap3A_353 = arith.constant 48 : index
        %swap3A_354 = tpu.vector_load %arg13[%swap3A_353] {strides = array<i32>} : memref<80xi32, #tpu.memory_space<vmem>>, vector<16xi32>,
        %swap3A_355 = vector.shape_cast %swap3A_354 : vector<16xi32> to vector<16xi32>
        %swap3A_356 = vector.shape_cast %get3A_352 : vector<16xi32> to vector<16xi32>
        tpu.vector_store %arg13[%swap3A_353], %swap3A_356 {strides = array<i32>} : memref<80xi32, #tpu.memory_space<vmem>>, vector<16xi32>,
        %get3A_357 = arith.index_cast %add3A_113 : i32 to index
        %get3A_358 = arith.constant 64 : index
        %get3A_359 = tpu.vector_load %arg7[%get3A_357, %get3A_358] {strides = array<i32>} : memref<250x80xi32, #tpu.memory_space<vmem>>, vector<1x16xi32>,
        %get3A_360 = vector.shape_cast %get3A_359 : vector<1x16xi32> to vector<16xi32>
        %mul3A_361 = arith.constant 2 : i32
        %mul3A_362 = vector.broadcast %mul3A_361 : i32 to vector<16xi32>
        %mul3A_363 = arith.muli %get3A_360, %mul3A_362 : vector<16xi32>
        %add3A_364 = vector.broadcast %arg0 : i32 to vector<16xi32>
        %add3A_365 = arith.addi %mul3A_363, %add3A_364 : vector<16xi32>
        %swap3A_366 = arith.constant 64 : index
        %swap3A_367 = tpu.vector_load %arg9[%swap3A_366] {strides = array<i32>} : memref<80xi32, #tpu.memory_space<vmem>>, vector<16xi32>,
        %swap3A_368 = vector.shape_cast %swap3A_367 : vector<16xi32> to vector<16xi32>
        %swap3A_369 = vector.shape_cast %add3A_365 : vector<16xi32> to vector<16xi32>
        tpu.vector_store %arg9[%swap3A_366], %swap3A_369 {strides = array<i32>} : memref<80xi32, #tpu.memory_space<vmem>>, vector<16xi32>,
        %get3A_370 = arith.index_cast %add3A_113 : i32 to index
        %get3A_371 = arith.constant 64 : index
        %get3A_372 = tpu.vector_load %arg8[%get3A_370, %get3A_371] {strides = array<i32>} : memref<250x80xi32, #tpu.memory_space<vmem>>, vector<1x16xi32>,
        %get3A_373 = vector.shape_cast %get3A_372 : vector<1x16xi32> to vector<16xi32>
        %swap3A_374 = arith.constant 64 : index
        %swap3A_375 = tpu.vector_load %arg13[%swap3A_374] {strides = array<i32>} : memref<80xi32, #tpu.memory_space<vmem>>, vector<16xi32>,
        %swap3A_376 = vector.shape_cast %swap3A_375 : vector<16xi32> to vector<16xi32>
        %swap3A_377 = vector.shape_cast %get3A_373 : vector<16xi32> to vector<16xi32>
        tpu.vector_store %arg13[%swap3A_374], %swap3A_377 {strides = array<i32>} : memref<80xi32, #tpu.memory_space<vmem>>, vector<16xi32>,
        %dma_start3A_378 = arith.constant 0 : i32
        %dma_start3A_379 = arith.constant 0 : i32
        %dma_start3A_380 = tpu.memref_slice %arg2[%dma_start3A_378, %dma_start3A_379] : memref<20000x64xf32, #tpu.memory_space<hbm>> -> memref<20000x64xf32, #tpu.memory_space<hbm>>
        tpu.enqueue_indirect_dma source(%dma_start3A_380 : memref<20000x64xf32, #tpu.memory_space<hbm>>) target(%arg21 : memref<80x64xf32, #tpu.memory_space<vmem>>) offsets(%arg9 : memref<80xi32, #tpu.memory_space<vmem>>) semaphore(%arg31 : memref<!tpu.dma_semaphore, #tpu.memory_space<semaphore_mem>>)
      } else {
      }
      %sub3A = arith.constant 2 : i32
      %sub3A_122 = arith.subi %add3A_113, %sub3A : i32
      %ge3A_123 = arith.constant 0 : i32
      %ge3A_124 = arith.cmpi sge, %sub3A_122, %ge3A_123 : i32
      %lt3A_125 = arith.constant 250 : i32
      %lt3A_126 = arith.cmpi slt, %sub3A_122, %lt3A_125 : i32
      %and3A_127 = arith.andi %ge3A_124, %lt3A_126 : i1
      %convert_element_type3A_128 = arith.extui %and3A_127 : i1 to i32
      %cond3A_129 = arith.constant 0 : i32
      %cond3A_130 = arith.cmpi ne, %convert_element_type3A_128, %cond3A_129 : i32
      scf.if %cond3A_130 {
        %dma_wait3A_275 = arith.constant 0 : i32
        %dma_wait3A_276 = arith.constant 0 : i32
        %dma_wait3A_277 = tpu.memref_slice %arg2[%dma_wait3A_275, %dma_wait3A_276] : memref<20000x64xf32, #tpu.memory_space<hbm>> -> memref<20000x64xf32, #tpu.memory_space<hbm>>
        tpu.wait_indirect_dma semaphore(%arg33 : memref<!tpu.dma_semaphore, #tpu.memory_space<semaphore_mem>>) src(%dma_wait3A_277 : memref<20000x64xf32, #tpu.memory_space<hbm>>) dst(%arg23 : memref<80x64xf32, #tpu.memory_space<vmem>>)
        %dma_start3A_278 = arith.constant 0 : i32
        %dma_start3A_279 = arith.constant 0 : i32
        %dma_start3A_280 = tpu.memref_slice %arg28[%dma_start3A_278, %dma_start3A_279] : memref<10112x64xf32, #tpu.memory_space<vmem_shared>> -> memref<10112x64xf32, #tpu.memory_space<vmem_shared>>
        tpu.enqueue_indirect_dma source(%arg23 : memref<80x64xf32, #tpu.memory_space<vmem>>) target(%dma_start3A_280 : memref<10112x64xf32, #tpu.memory_space<vmem_shared>>) offsets(%arg15 : memref<80xi32, #tpu.memory_space<vmem>>) semaphore(%arg37 : memref<!tpu.dma_semaphore, #tpu.memory_space<semaphore_mem>>) {add = true}
      } else {
      }
      %ge3A_131 = arith.constant 0 : i32
      %ge3A_132 = arith.cmpi sge, %sub3A_122, %ge3A_131 : i32
      %lt3A_133 = arith.constant 250 : i32
      %lt3A_134 = arith.cmpi slt, %sub3A_122, %lt3A_133 : i32
      %and3A_135 = arith.andi %ge3A_132, %lt3A_134 : i1
      %lt3A_136 = arith.constant 125 : i32
      %lt3A_137 = arith.cmpi slt, %sub3A_122, %lt3A_136 : i32
      %eq3A = arith.constant 0 : i32
      %eq3A_138 = arith.cmpi eq, %arg0, %eq3A : i32
      %eq3A_139 = arith.xori %lt3A_137, %eq3A_138 : i1
      %eq3A_140 = arith.constant true
      %eq3A_141 = arith.xori %eq3A_139, %eq3A_140 : i1
      %and3A_142 = arith.andi %and3A_135, %eq3A_141 : i1
      %convert_element_type3A_143 = arith.extui %and3A_142 : i1 to i32
      %cond3A_144 = arith.constant 0 : i32
      %cond3A_145 = arith.cmpi ne, %convert_element_type3A_143, %cond3A_144 : i32
      scf.if %cond3A_145 {
        %sub3A_275 = arith.constant 4 : i32
        %sub3A_276 = arith.subi %sub3A_122, %sub3A_275 : i32
        %ge3A_277 = arith.constant 0 : i32
        %ge3A_278 = arith.cmpi sge, %sub3A_276, %ge3A_277 : i32
        %sub3A_279 = arith.constant 4 : i32
        %sub3A_280 = arith.subi %sub3A_122, %sub3A_279 : i32
        %lt3A_281 = arith.constant 125 : i32
        %lt3A_282 = arith.cmpi slt, %sub3A_280, %lt3A_281 : i32
        %eq3A_283 = arith.constant 0 : i32
        %eq3A_284 = arith.cmpi eq, %arg0, %eq3A_283 : i32
        %eq3A_285 = arith.xori %lt3A_282, %eq3A_284 : i1
        %eq3A_286 = arith.constant true
        %eq3A_287 = arith.xori %eq3A_285, %eq3A_286 : i1
        %and3A_288 = arith.andi %ge3A_278, %eq3A_287 : i1
        %convert_element_type3A_289 = arith.extui %and3A_288 : i1 to i32
        %cond3A_290 = arith.constant 0 : i32
        %cond3A_291 = arith.cmpi ne, %convert_element_type3A_289, %cond3A_290 : i32
        scf.if %cond3A_291 {
          %dma_wait3A_328 = arith.constant 0 : i32
          %dma_wait3A_329 = arith.constant 0 : i32
          %dma_wait3A_330 = tpu.memref_slice %arg29[%dma_wait3A_328, %dma_wait3A_329] : memref<10112x16xf32, #tpu.memory_space<vmem_shared>> -> memref<10112x16xf32, #tpu.memory_space<vmem_shared>>
          tpu.wait_indirect_dma semaphore(%arg41 : memref<!tpu.dma_semaphore, #tpu.memory_space<semaphore_mem>>) src(%arg25 : memref<80x16xf32, #tpu.memory_space<vmem>>) dst(%dma_wait3A_330 : memref<10112x16xf32, #tpu.memory_space<vmem_shared>>)
        } else {
        }
        %get3A = arith.constant 0 : index
        %get3A_292 = tpu.vector_load %arg15[%get3A] {strides = array<i32>} : memref<80xi32, #tpu.memory_space<vmem>>, vector<16xi32>,
        %get3A_293 = vector.shape_cast %get3A_292 : vector<16xi32> to vector<16xi32>
        %swap3A = arith.constant 0 : index
        %swap3A_294 = tpu.vector_load %arg19[%swap3A] {strides = array<i32>} : memref<80xi32, #tpu.memory_space<vmem>>, vector<16xi32>,
        %swap3A_295 = vector.shape_cast %swap3A_294 : vector<16xi32> to vector<16xi32>
        %swap3A_296 = vector.shape_cast %get3A_293 : vector<16xi32> to vector<16xi32>
        tpu.vector_store %arg19[%swap3A], %swap3A_296 {strides = array<i32>} : memref<80xi32, #tpu.memory_space<vmem>>, vector<16xi32>,
        %get3A_297 = arith.constant 16 : index
        %get3A_298 = tpu.vector_load %arg15[%get3A_297] {strides = array<i32>} : memref<80xi32, #tpu.memory_space<vmem>>, vector<16xi32>,
        %get3A_299 = vector.shape_cast %get3A_298 : vector<16xi32> to vector<16xi32>
        %swap3A_300 = arith.constant 16 : index
        %swap3A_301 = tpu.vector_load %arg19[%swap3A_300] {strides = array<i32>} : memref<80xi32, #tpu.memory_space<vmem>>, vector<16xi32>,
        %swap3A_302 = vector.shape_cast %swap3A_301 : vector<16xi32> to vector<16xi32>
        %swap3A_303 = vector.shape_cast %get3A_299 : vector<16xi32> to vector<16xi32>
        tpu.vector_store %arg19[%swap3A_300], %swap3A_303 {strides = array<i32>} : memref<80xi32, #tpu.memory_space<vmem>>, vector<16xi32>,
        %get3A_304 = arith.constant 32 : index
        %get3A_305 = tpu.vector_load %arg15[%get3A_304] {strides = array<i32>} : memref<80xi32, #tpu.memory_space<vmem>>, vector<16xi32>,
        %get3A_306 = vector.shape_cast %get3A_305 : vector<16xi32> to vector<16xi32>
        %swap3A_307 = arith.constant 32 : index
        %swap3A_308 = tpu.vector_load %arg19[%swap3A_307] {strides = array<i32>} : memref<80xi32, #tpu.memory_space<vmem>>, vector<16xi32>,
        %swap3A_309 = vector.shape_cast %swap3A_308 : vector<16xi32> to vector<16xi32>
        %swap3A_310 = vector.shape_cast %get3A_306 : vector<16xi32> to vector<16xi32>
        tpu.vector_store %arg19[%swap3A_307], %swap3A_310 {strides = array<i32>} : memref<80xi32, #tpu.memory_space<vmem>>, vector<16xi32>,
        %get3A_311 = arith.constant 48 : index
        %get3A_312 = tpu.vector_load %arg15[%get3A_311] {strides = array<i32>} : memref<80xi32, #tpu.memory_space<vmem>>, vector<16xi32>,
        %get3A_313 = vector.shape_cast %get3A_312 : vector<16xi32> to vector<16xi32>
        %swap3A_314 = arith.constant 48 : index
        %swap3A_315 = tpu.vector_load %arg19[%swap3A_314] {strides = array<i32>} : memref<80xi32, #tpu.memory_space<vmem>>, vector<16xi32>,
        %swap3A_316 = vector.shape_cast %swap3A_315 : vector<16xi32> to vector<16xi32>
        %swap3A_317 = vector.shape_cast %get3A_313 : vector<16xi32> to vector<16xi32>
        tpu.vector_store %arg19[%swap3A_314], %swap3A_317 {strides = array<i32>} : memref<80xi32, #tpu.memory_space<vmem>>, vector<16xi32>,
        %get3A_318 = arith.constant 64 : index
        %get3A_319 = tpu.vector_load %arg15[%get3A_318] {strides = array<i32>} : memref<80xi32, #tpu.memory_space<vmem>>, vector<16xi32>,
        %get3A_320 = vector.shape_cast %get3A_319 : vector<16xi32> to vector<16xi32>
        %swap3A_321 = arith.constant 64 : index
        %swap3A_322 = tpu.vector_load %arg19[%swap3A_321] {strides = array<i32>} : memref<80xi32, #tpu.memory_space<vmem>>, vector<16xi32>,
        %swap3A_323 = vector.shape_cast %swap3A_322 : vector<16xi32> to vector<16xi32>
        %swap3A_324 = vector.shape_cast %get3A_320 : vector<16xi32> to vector<16xi32>
        tpu.vector_store %arg19[%swap3A_321], %swap3A_324 {strides = array<i32>} : memref<80xi32, #tpu.memory_space<vmem>>, vector<16xi32>,
        %dma_start3A_325 = arith.constant 0 : i32
        %dma_start3A_326 = arith.constant 0 : i32
        %dma_start3A_327 = tpu.memref_slice %arg29[%dma_start3A_325, %dma_start3A_326] : memref<10112x16xf32, #tpu.memory_space<vmem_shared>> -> memref<10112x16xf32, #tpu.memory_space<vmem_shared>>
        tpu.enqueue_indirect_dma source(%arg25 : memref<80x16xf32, #tpu.memory_space<vmem>>) target(%dma_start3A_327 : memref<10112x16xf32, #tpu.memory_space<vmem_shared>>) offsets(%arg19 : memref<80xi32, #tpu.memory_space<vmem>>) semaphore(%arg41 : memref<!tpu.dma_semaphore, #tpu.memory_space<semaphore_mem>>) {add = true}
      } else {
      }
      %mul3A_146 = arith.constant 4 : i32
      %mul3A_147 = arith.muli %scan3A_109, %mul3A_146 : i32
      %add3A_148 = arith.constant 1 : i32
      %add3A_149 = arith.addi %mul3A_147, %add3A_148 : i32
      %ge3A_150 = arith.constant 4 : i32
      %ge3A_151 = arith.cmpi sge, %add3A_149, %ge3A_150 : i32
      %lt3A_152 = arith.constant 250 : i32
      %lt3A_153 = arith.cmpi slt, %add3A_149, %lt3A_152 : i32
      %and3A_154 = arith.andi %ge3A_151, %lt3A_153 : i1
      %convert_element_type3A_155 = arith.extui %and3A_154 : i1 to i32
      %cond3A_156 = arith.constant 0 : i32
      %cond3A_157 = arith.cmpi ne, %convert_element_type3A_155, %cond3A_156 : i32
      scf.if %cond3A_157 {
        %dma_wait3A_275 = arith.constant 0 : i32
        %dma_wait3A_276 = arith.constant 0 : i32
        %dma_wait3A_277 = tpu.memref_slice %arg28[%dma_wait3A_275, %dma_wait3A_276] : memref<10112x64xf32, #tpu.memory_space<vmem_shared>> -> memref<10112x64xf32, #tpu.memory_space<vmem_shared>>
        tpu.wait_indirect_dma semaphore(%arg36 : memref<!tpu.dma_semaphore, #tpu.memory_space<semaphore_mem>>) src(%arg22 : memref<80x64xf32, #tpu.memory_space<vmem>>) dst(%dma_wait3A_277 : memref<10112x64xf32, #tpu.memory_space<vmem_shared>>)
      } else {
      }
      %lt3A_158 = arith.constant 250 : i32
      %lt3A_159 = arith.cmpi slt, %add3A_149, %lt3A_158 : i32
      %convert_element_type3A_160 = arith.extui %lt3A_159 : i1 to i32
      %cond3A_161 = arith.constant 0 : i32
      %cond3A_162 = arith.cmpi ne, %convert_element_type3A_160, %cond3A_161 : i32
      scf.if %cond3A_162 {
        %get3A = arith.index_cast %add3A_149 : i32 to index
        %get3A_275 = arith.constant 0 : index
        %get3A_276 = tpu.vector_load %arg7[%get3A, %get3A_275] {strides = array<i32>} : memref<250x80xi32, #tpu.memory_space<vmem>>, vector<1x16xi32>,
        %get3A_277 = vector.shape_cast %get3A_276 : vector<1x16xi32> to vector<16xi32>
        %mul3A_278 = arith.constant 2 : i32
        %mul3A_279 = vector.broadcast %mul3A_278 : i32 to vector<16xi32>
        %mul3A_280 = arith.muli %get3A_277, %mul3A_279 : vector<16xi32>
        %add3A_281 = vector.broadcast %arg0 : i32 to vector<16xi32>
        %add3A_282 = arith.addi %mul3A_280, %add3A_281 : vector<16xi32>
        %swap3A = arith.constant 0 : index
        %swap3A_283 = tpu.vector_load %arg10[%swap3A] {strides = array<i32>} : memref<80xi32, #tpu.memory_space<vmem>>, vector<16xi32>,
        %swap3A_284 = vector.shape_cast %swap3A_283 : vector<16xi32> to vector<16xi32>
        %swap3A_285 = vector.shape_cast %add3A_282 : vector<16xi32> to vector<16xi32>
        tpu.vector_store %arg10[%swap3A], %swap3A_285 {strides = array<i32>} : memref<80xi32, #tpu.memory_space<vmem>>, vector<16xi32>,
        %get3A_286 = arith.index_cast %add3A_149 : i32 to index
        %get3A_287 = arith.constant 0 : index
        %get3A_288 = tpu.vector_load %arg8[%get3A_286, %get3A_287] {strides = array<i32>} : memref<250x80xi32, #tpu.memory_space<vmem>>, vector<1x16xi32>,
        %get3A_289 = vector.shape_cast %get3A_288 : vector<1x16xi32> to vector<16xi32>
        %swap3A_290 = arith.constant 0 : index
        %swap3A_291 = tpu.vector_load %arg14[%swap3A_290] {strides = array<i32>} : memref<80xi32, #tpu.memory_space<vmem>>, vector<16xi32>,
        %swap3A_292 = vector.shape_cast %swap3A_291 : vector<16xi32> to vector<16xi32>
        %swap3A_293 = vector.shape_cast %get3A_289 : vector<16xi32> to vector<16xi32>
        tpu.vector_store %arg14[%swap3A_290], %swap3A_293 {strides = array<i32>} : memref<80xi32, #tpu.memory_space<vmem>>, vector<16xi32>,
        %get3A_294 = arith.index_cast %add3A_149 : i32 to index
        %get3A_295 = arith.constant 16 : index
        %get3A_296 = tpu.vector_load %arg7[%get3A_294, %get3A_295] {strides = array<i32>} : memref<250x80xi32, #tpu.memory_space<vmem>>, vector<1x16xi32>,
        %get3A_297 = vector.shape_cast %get3A_296 : vector<1x16xi32> to vector<16xi32>
        %mul3A_298 = arith.constant 2 : i32
        %mul3A_299 = vector.broadcast %mul3A_298 : i32 to vector<16xi32>
        %mul3A_300 = arith.muli %get3A_297, %mul3A_299 : vector<16xi32>
        %add3A_301 = vector.broadcast %arg0 : i32 to vector<16xi32>
        %add3A_302 = arith.addi %mul3A_300, %add3A_301 : vector<16xi32>
        %swap3A_303 = arith.constant 16 : index
        %swap3A_304 = tpu.vector_load %arg10[%swap3A_303] {strides = array<i32>} : memref<80xi32, #tpu.memory_space<vmem>>, vector<16xi32>,
        %swap3A_305 = vector.shape_cast %swap3A_304 : vector<16xi32> to vector<16xi32>
        %swap3A_306 = vector.shape_cast %add3A_302 : vector<16xi32> to vector<16xi32>
        tpu.vector_store %arg10[%swap3A_303], %swap3A_306 {strides = array<i32>} : memref<80xi32, #tpu.memory_space<vmem>>, vector<16xi32>,
        %get3A_307 = arith.index_cast %add3A_149 : i32 to index
        %get3A_308 = arith.constant 16 : index
        %get3A_309 = tpu.vector_load %arg8[%get3A_307, %get3A_308] {strides = array<i32>} : memref<250x80xi32, #tpu.memory_space<vmem>>, vector<1x16xi32>,
        %get3A_310 = vector.shape_cast %get3A_309 : vector<1x16xi32> to vector<16xi32>
        %swap3A_311 = arith.constant 16 : index
        %swap3A_312 = tpu.vector_load %arg14[%swap3A_311] {strides = array<i32>} : memref<80xi32, #tpu.memory_space<vmem>>, vector<16xi32>,
        %swap3A_313 = vector.shape_cast %swap3A_312 : vector<16xi32> to vector<16xi32>
        %swap3A_314 = vector.shape_cast %get3A_310 : vector<16xi32> to vector<16xi32>
        tpu.vector_store %arg14[%swap3A_311], %swap3A_314 {strides = array<i32>} : memref<80xi32, #tpu.memory_space<vmem>>, vector<16xi32>,
        %get3A_315 = arith.index_cast %add3A_149 : i32 to index
        %get3A_316 = arith.constant 32 : index
        %get3A_317 = tpu.vector_load %arg7[%get3A_315, %get3A_316] {strides = array<i32>} : memref<250x80xi32, #tpu.memory_space<vmem>>, vector<1x16xi32>,
        %get3A_318 = vector.shape_cast %get3A_317 : vector<1x16xi32> to vector<16xi32>
        %mul3A_319 = arith.constant 2 : i32
        %mul3A_320 = vector.broadcast %mul3A_319 : i32 to vector<16xi32>
        %mul3A_321 = arith.muli %get3A_318, %mul3A_320 : vector<16xi32>
        %add3A_322 = vector.broadcast %arg0 : i32 to vector<16xi32>
        %add3A_323 = arith.addi %mul3A_321, %add3A_322 : vector<16xi32>
        %swap3A_324 = arith.constant 32 : index
        %swap3A_325 = tpu.vector_load %arg10[%swap3A_324] {strides = array<i32>} : memref<80xi32, #tpu.memory_space<vmem>>, vector<16xi32>,
        %swap3A_326 = vector.shape_cast %swap3A_325 : vector<16xi32> to vector<16xi32>
        %swap3A_327 = vector.shape_cast %add3A_323 : vector<16xi32> to vector<16xi32>
        tpu.vector_store %arg10[%swap3A_324], %swap3A_327 {strides = array<i32>} : memref<80xi32, #tpu.memory_space<vmem>>, vector<16xi32>,
        %get3A_328 = arith.index_cast %add3A_149 : i32 to index
        %get3A_329 = arith.constant 32 : index
        %get3A_330 = tpu.vector_load %arg8[%get3A_328, %get3A_329] {strides = array<i32>} : memref<250x80xi32, #tpu.memory_space<vmem>>, vector<1x16xi32>,
        %get3A_331 = vector.shape_cast %get3A_330 : vector<1x16xi32> to vector<16xi32>
        %swap3A_332 = arith.constant 32 : index
        %swap3A_333 = tpu.vector_load %arg14[%swap3A_332] {strides = array<i32>} : memref<80xi32, #tpu.memory_space<vmem>>, vector<16xi32>,
        %swap3A_334 = vector.shape_cast %swap3A_333 : vector<16xi32> to vector<16xi32>
        %swap3A_335 = vector.shape_cast %get3A_331 : vector<16xi32> to vector<16xi32>
        tpu.vector_store %arg14[%swap3A_332], %swap3A_335 {strides = array<i32>} : memref<80xi32, #tpu.memory_space<vmem>>, vector<16xi32>,
        %get3A_336 = arith.index_cast %add3A_149 : i32 to index
        %get3A_337 = arith.constant 48 : index
        %get3A_338 = tpu.vector_load %arg7[%get3A_336, %get3A_337] {strides = array<i32>} : memref<250x80xi32, #tpu.memory_space<vmem>>, vector<1x16xi32>,
        %get3A_339 = vector.shape_cast %get3A_338 : vector<1x16xi32> to vector<16xi32>
        %mul3A_340 = arith.constant 2 : i32
        %mul3A_341 = vector.broadcast %mul3A_340 : i32 to vector<16xi32>
        %mul3A_342 = arith.muli %get3A_339, %mul3A_341 : vector<16xi32>
        %add3A_343 = vector.broadcast %arg0 : i32 to vector<16xi32>
        %add3A_344 = arith.addi %mul3A_342, %add3A_343 : vector<16xi32>
        %swap3A_345 = arith.constant 48 : index
        %swap3A_346 = tpu.vector_load %arg10[%swap3A_345] {strides = array<i32>} : memref<80xi32, #tpu.memory_space<vmem>>, vector<16xi32>,
        %swap3A_347 = vector.shape_cast %swap3A_346 : vector<16xi32> to vector<16xi32>
        %swap3A_348 = vector.shape_cast %add3A_344 : vector<16xi32> to vector<16xi32>
        tpu.vector_store %arg10[%swap3A_345], %swap3A_348 {strides = array<i32>} : memref<80xi32, #tpu.memory_space<vmem>>, vector<16xi32>,
        %get3A_349 = arith.index_cast %add3A_149 : i32 to index
        %get3A_350 = arith.constant 48 : index
        %get3A_351 = tpu.vector_load %arg8[%get3A_349, %get3A_350] {strides = array<i32>} : memref<250x80xi32, #tpu.memory_space<vmem>>, vector<1x16xi32>,
        %get3A_352 = vector.shape_cast %get3A_351 : vector<1x16xi32> to vector<16xi32>
        %swap3A_353 = arith.constant 48 : index
        %swap3A_354 = tpu.vector_load %arg14[%swap3A_353] {strides = array<i32>} : memref<80xi32, #tpu.memory_space<vmem>>, vector<16xi32>,
        %swap3A_355 = vector.shape_cast %swap3A_354 : vector<16xi32> to vector<16xi32>
        %swap3A_356 = vector.shape_cast %get3A_352 : vector<16xi32> to vector<16xi32>
        tpu.vector_store %arg14[%swap3A_353], %swap3A_356 {strides = array<i32>} : memref<80xi32, #tpu.memory_space<vmem>>, vector<16xi32>,
        %get3A_357 = arith.index_cast %add3A_149 : i32 to index
        %get3A_358 = arith.constant 64 : index
        %get3A_359 = tpu.vector_load %arg7[%get3A_357, %get3A_358] {strides = array<i32>} : memref<250x80xi32, #tpu.memory_space<vmem>>, vector<1x16xi32>,
        %get3A_360 = vector.shape_cast %get3A_359 : vector<1x16xi32> to vector<16xi32>
        %mul3A_361 = arith.constant 2 : i32
        %mul3A_362 = vector.broadcast %mul3A_361 : i32 to vector<16xi32>
        %mul3A_363 = arith.muli %get3A_360, %mul3A_362 : vector<16xi32>
        %add3A_364 = vector.broadcast %arg0 : i32 to vector<16xi32>
        %add3A_365 = arith.addi %mul3A_363, %add3A_364 : vector<16xi32>
        %swap3A_366 = arith.constant 64 : index
        %swap3A_367 = tpu.vector_load %arg10[%swap3A_366] {strides = array<i32>} : memref<80xi32, #tpu.memory_space<vmem>>, vector<16xi32>,
        %swap3A_368 = vector.shape_cast %swap3A_367 : vector<16xi32> to vector<16xi32>
        %swap3A_369 = vector.shape_cast %add3A_365 : vector<16xi32> to vector<16xi32>
        tpu.vector_store %arg10[%swap3A_366], %swap3A_369 {strides = array<i32>} : memref<80xi32, #tpu.memory_space<vmem>>, vector<16xi32>,
        %get3A_370 = arith.index_cast %add3A_149 : i32 to index
        %get3A_371 = arith.constant 64 : index
        %get3A_372 = tpu.vector_load %arg8[%get3A_370, %get3A_371] {strides = array<i32>} : memref<250x80xi32, #tpu.memory_space<vmem>>, vector<1x16xi32>,
        %get3A_373 = vector.shape_cast %get3A_372 : vector<1x16xi32> to vector<16xi32>
        %swap3A_374 = arith.constant 64 : index
        %swap3A_375 = tpu.vector_load %arg14[%swap3A_374] {strides = array<i32>} : memref<80xi32, #tpu.memory_space<vmem>>, vector<16xi32>,
        %swap3A_376 = vector.shape_cast %swap3A_375 : vector<16xi32> to vector<16xi32>
        %swap3A_377 = vector.shape_cast %get3A_373 : vector<16xi32> to vector<16xi32>
        tpu.vector_store %arg14[%swap3A_374], %swap3A_377 {strides = array<i32>} : memref<80xi32, #tpu.memory_space<vmem>>, vector<16xi32>,
        %dma_start3A_378 = arith.constant 0 : i32
        %dma_start3A_379 = arith.constant 0 : i32
        %dma_start3A_380 = tpu.memref_slice %arg2[%dma_start3A_378, %dma_start3A_379] : memref<20000x64xf32, #tpu.memory_space<hbm>> -> memref<20000x64xf32, #tpu.memory_space<hbm>>
        tpu.enqueue_indirect_dma source(%dma_start3A_380 : memref<20000x64xf32, #tpu.memory_space<hbm>>) target(%arg22 : memref<80x64xf32, #tpu.memory_space<vmem>>) offsets(%arg10 : memref<80xi32, #tpu.memory_space<vmem>>) semaphore(%arg32 : memref<!tpu.dma_semaphore, #tpu.memory_space<semaphore_mem>>)
      } else {
      }
      %sub3A_163 = arith.constant 2 : i32
      %sub3A_164 = arith.subi %add3A_149, %sub3A_163 : i32
      %ge3A_165 = arith.constant 0 : i32
      %ge3A_166 = arith.cmpi sge, %sub3A_164, %ge3A_165 : i32
      %lt3A_167 = arith.constant 250 : i32
      %lt3A_168 = arith.cmpi slt, %sub3A_164, %lt3A_167 : i32
      %and3A_169 = arith.andi %ge3A_166, %lt3A_168 : i1
      %convert_element_type3A_170 = arith.extui %and3A_169 : i1 to i32
      %cond3A_171 = arith.constant 0 : i32
      %cond3A_172 = arith.cmpi ne, %convert_element_type3A_170, %cond3A_171 : i32
      scf.if %cond3A_172 {
        %dma_wait3A_275 = arith.constant 0 : i32
        %dma_wait3A_276 = arith.constant 0 : i32
        %dma_wait3A_277 = tpu.memref_slice %arg2[%dma_wait3A_275, %dma_wait3A_276] : memref<20000x64xf32, #tpu.memory_space<hbm>> -> memref<20000x64xf32, #tpu.memory_space<hbm>>
        tpu.wait_indirect_dma semaphore(%arg34 : memref<!tpu.dma_semaphore, #tpu.memory_space<semaphore_mem>>) src(%dma_wait3A_277 : memref<20000x64xf32, #tpu.memory_space<hbm>>) dst(%arg24 : memref<80x64xf32, #tpu.memory_space<vmem>>)
        %dma_start3A_278 = arith.constant 0 : i32
        %dma_start3A_279 = arith.constant 0 : i32
        %dma_start3A_280 = tpu.memref_slice %arg28[%dma_start3A_278, %dma_start3A_279] : memref<10112x64xf32, #tpu.memory_space<vmem_shared>> -> memref<10112x64xf32, #tpu.memory_space<vmem_shared>>
        tpu.enqueue_indirect_dma source(%arg24 : memref<80x64xf32, #tpu.memory_space<vmem>>) target(%dma_start3A_280 : memref<10112x64xf32, #tpu.memory_space<vmem_shared>>) offsets(%arg16 : memref<80xi32, #tpu.memory_space<vmem>>) semaphore(%arg38 : memref<!tpu.dma_semaphore, #tpu.memory_space<semaphore_mem>>) {add = true}
      } else {
      }
      %ge3A_173 = arith.constant 0 : i32
      %ge3A_174 = arith.cmpi sge, %sub3A_164, %ge3A_173 : i32
      %lt3A_175 = arith.constant 250 : i32
      %lt3A_176 = arith.cmpi slt, %sub3A_164, %lt3A_175 : i32
      %and3A_177 = arith.andi %ge3A_174, %lt3A_176 : i1
      %lt3A_178 = arith.constant 125 : i32
      %lt3A_179 = arith.cmpi slt, %sub3A_164, %lt3A_178 : i32
      %eq3A_180 = arith.constant 0 : i32
      %eq3A_181 = arith.cmpi eq, %arg0, %eq3A_180 : i32
      %eq3A_182 = arith.xori %lt3A_179, %eq3A_181 : i1
      %eq3A_183 = arith.constant true
      %eq3A_184 = arith.xori %eq3A_182, %eq3A_183 : i1
      %and3A_185 = arith.andi %and3A_177, %eq3A_184 : i1
      %convert_element_type3A_186 = arith.extui %and3A_185 : i1 to i32
      %cond3A_187 = arith.constant 0 : i32
      %cond3A_188 = arith.cmpi ne, %convert_element_type3A_186, %cond3A_187 : i32
      scf.if %cond3A_188 {
        %sub3A_275 = arith.constant 4 : i32
        %sub3A_276 = arith.subi %sub3A_164, %sub3A_275 : i32
        %ge3A_277 = arith.constant 0 : i32
        %ge3A_278 = arith.cmpi sge, %sub3A_276, %ge3A_277 : i32
        %sub3A_279 = arith.constant 4 : i32
        %sub3A_280 = arith.subi %sub3A_164, %sub3A_279 : i32
        %lt3A_281 = arith.constant 125 : i32
        %lt3A_282 = arith.cmpi slt, %sub3A_280, %lt3A_281 : i32
        %eq3A_283 = arith.constant 0 : i32
        %eq3A_284 = arith.cmpi eq, %arg0, %eq3A_283 : i32
        %eq3A_285 = arith.xori %lt3A_282, %eq3A_284 : i1
        %eq3A_286 = arith.constant true
        %eq3A_287 = arith.xori %eq3A_285, %eq3A_286 : i1
        %and3A_288 = arith.andi %ge3A_278, %eq3A_287 : i1
        %convert_element_type3A_289 = arith.extui %and3A_288 : i1 to i32
        %cond3A_290 = arith.constant 0 : i32
        %cond3A_291 = arith.cmpi ne, %convert_element_type3A_289, %cond3A_290 : i32
        scf.if %cond3A_291 {
          %dma_wait3A_328 = arith.constant 0 : i32
          %dma_wait3A_329 = arith.constant 0 : i32
          %dma_wait3A_330 = tpu.memref_slice %arg29[%dma_wait3A_328, %dma_wait3A_329] : memref<10112x16xf32, #tpu.memory_space<vmem_shared>> -> memref<10112x16xf32, #tpu.memory_space<vmem_shared>>
          tpu.wait_indirect_dma semaphore(%arg42 : memref<!tpu.dma_semaphore, #tpu.memory_space<semaphore_mem>>) src(%arg25 : memref<80x16xf32, #tpu.memory_space<vmem>>) dst(%dma_wait3A_330 : memref<10112x16xf32, #tpu.memory_space<vmem_shared>>)
        } else {
        }
        %get3A = arith.constant 0 : index
        %get3A_292 = tpu.vector_load %arg16[%get3A] {strides = array<i32>} : memref<80xi32, #tpu.memory_space<vmem>>, vector<16xi32>,
        %get3A_293 = vector.shape_cast %get3A_292 : vector<16xi32> to vector<16xi32>
        %swap3A = arith.constant 0 : index
        %swap3A_294 = tpu.vector_load %arg20[%swap3A] {strides = array<i32>} : memref<80xi32, #tpu.memory_space<vmem>>, vector<16xi32>,
        %swap3A_295 = vector.shape_cast %swap3A_294 : vector<16xi32> to vector<16xi32>
        %swap3A_296 = vector.shape_cast %get3A_293 : vector<16xi32> to vector<16xi32>
        tpu.vector_store %arg20[%swap3A], %swap3A_296 {strides = array<i32>} : memref<80xi32, #tpu.memory_space<vmem>>, vector<16xi32>,
        %get3A_297 = arith.constant 16 : index
        %get3A_298 = tpu.vector_load %arg16[%get3A_297] {strides = array<i32>} : memref<80xi32, #tpu.memory_space<vmem>>, vector<16xi32>,
        %get3A_299 = vector.shape_cast %get3A_298 : vector<16xi32> to vector<16xi32>
        %swap3A_300 = arith.constant 16 : index
        %swap3A_301 = tpu.vector_load %arg20[%swap3A_300] {strides = array<i32>} : memref<80xi32, #tpu.memory_space<vmem>>, vector<16xi32>,
        %swap3A_302 = vector.shape_cast %swap3A_301 : vector<16xi32> to vector<16xi32>
        %swap3A_303 = vector.shape_cast %get3A_299 : vector<16xi32> to vector<16xi32>
        tpu.vector_store %arg20[%swap3A_300], %swap3A_303 {strides = array<i32>} : memref<80xi32, #tpu.memory_space<vmem>>, vector<16xi32>,
        %get3A_304 = arith.constant 32 : index
        %get3A_305 = tpu.vector_load %arg16[%get3A_304] {strides = array<i32>} : memref<80xi32, #tpu.memory_space<vmem>>, vector<16xi32>,
        %get3A_306 = vector.shape_cast %get3A_305 : vector<16xi32> to vector<16xi32>
        %swap3A_307 = arith.constant 32 : index
        %swap3A_308 = tpu.vector_load %arg20[%swap3A_307] {strides = array<i32>} : memref<80xi32, #tpu.memory_space<vmem>>, vector<16xi32>,
        %swap3A_309 = vector.shape_cast %swap3A_308 : vector<16xi32> to vector<16xi32>
        %swap3A_310 = vector.shape_cast %get3A_306 : vector<16xi32> to vector<16xi32>
        tpu.vector_store %arg20[%swap3A_307], %swap3A_310 {strides = array<i32>} : memref<80xi32, #tpu.memory_space<vmem>>, vector<16xi32>,
        %get3A_311 = arith.constant 48 : index
        %get3A_312 = tpu.vector_load %arg16[%get3A_311] {strides = array<i32>} : memref<80xi32, #tpu.memory_space<vmem>>, vector<16xi32>,
        %get3A_313 = vector.shape_cast %get3A_312 : vector<16xi32> to vector<16xi32>
        %swap3A_314 = arith.constant 48 : index
        %swap3A_315 = tpu.vector_load %arg20[%swap3A_314] {strides = array<i32>} : memref<80xi32, #tpu.memory_space<vmem>>, vector<16xi32>,
        %swap3A_316 = vector.shape_cast %swap3A_315 : vector<16xi32> to vector<16xi32>
        %swap3A_317 = vector.shape_cast %get3A_313 : vector<16xi32> to vector<16xi32>
        tpu.vector_store %arg20[%swap3A_314], %swap3A_317 {strides = array<i32>} : memref<80xi32, #tpu.memory_space<vmem>>, vector<16xi32>,
        %get3A_318 = arith.constant 64 : index
        %get3A_319 = tpu.vector_load %arg16[%get3A_318] {strides = array<i32>} : memref<80xi32, #tpu.memory_space<vmem>>, vector<16xi32>,
        %get3A_320 = vector.shape_cast %get3A_319 : vector<16xi32> to vector<16xi32>
        %swap3A_321 = arith.constant 64 : index
        %swap3A_322 = tpu.vector_load %arg20[%swap3A_321] {strides = array<i32>} : memref<80xi32, #tpu.memory_space<vmem>>, vector<16xi32>,
        %swap3A_323 = vector.shape_cast %swap3A_322 : vector<16xi32> to vector<16xi32>
        %swap3A_324 = vector.shape_cast %get3A_320 : vector<16xi32> to vector<16xi32>
        tpu.vector_store %arg20[%swap3A_321], %swap3A_324 {strides = array<i32>} : memref<80xi32, #tpu.memory_space<vmem>>, vector<16xi32>,
        %dma_start3A_325 = arith.constant 0 : i32
        %dma_start3A_326 = arith.constant 0 : i32
        %dma_start3A_327 = tpu.memref_slice %arg29[%dma_start3A_325, %dma_start3A_326] : memref<10112x16xf32, #tpu.memory_space<vmem_shared>> -> memref<10112x16xf32, #tpu.memory_space<vmem_shared>>
        tpu.enqueue_indirect_dma source(%arg25 : memref<80x16xf32, #tpu.memory_space<vmem>>) target(%dma_start3A_327 : memref<10112x16xf32, #tpu.memory_space<vmem_shared>>) offsets(%arg20 : memref<80xi32, #tpu.memory_space<vmem>>) semaphore(%arg42 : memref<!tpu.dma_semaphore, #tpu.memory_space<semaphore_mem>>) {add = true}
      } else {
      }
      %mul3A_189 = arith.constant 4 : i32
      %mul3A_190 = arith.muli %scan3A_109, %mul3A_189 : i32
      %add3A_191 = arith.constant 2 : i32
      %add3A_192 = arith.addi %mul3A_190, %add3A_191 : i32
      %ge3A_193 = arith.constant 4 : i32
      %ge3A_194 = arith.cmpi sge, %add3A_192, %ge3A_193 : i32
      %lt3A_195 = arith.constant 250 : i32
      %lt3A_196 = arith.cmpi slt, %add3A_192, %lt3A_195 : i32
      %and3A_197 = arith.andi %ge3A_194, %lt3A_196 : i1
      %convert_element_type3A_198 = arith.extui %and3A_197 : i1 to i32
      %cond3A_199 = arith.constant 0 : i32
      %cond3A_200 = arith.cmpi ne, %convert_element_type3A_198, %cond3A_199 : i32
      scf.if %cond3A_200 {
        %dma_wait3A_275 = arith.constant 0 : i32
        %dma_wait3A_276 = arith.constant 0 : i32
        %dma_wait3A_277 = tpu.memref_slice %arg28[%dma_wait3A_275, %dma_wait3A_276] : memref<10112x64xf32, #tpu.memory_space<vmem_shared>> -> memref<10112x64xf32, #tpu.memory_space<vmem_shared>>
        tpu.wait_indirect_dma semaphore(%arg37 : memref<!tpu.dma_semaphore, #tpu.memory_space<semaphore_mem>>) src(%arg23 : memref<80x64xf32, #tpu.memory_space<vmem>>) dst(%dma_wait3A_277 : memref<10112x64xf32, #tpu.memory_space<vmem_shared>>)
      } else {
      }
      %lt3A_201 = arith.constant 250 : i32
      %lt3A_202 = arith.cmpi slt, %add3A_192, %lt3A_201 : i32
      %convert_element_type3A_203 = arith.extui %lt3A_202 : i1 to i32
      %cond3A_204 = arith.constant 0 : i32
      %cond3A_205 = arith.cmpi ne, %convert_element_type3A_203, %cond3A_204 : i32
      scf.if %cond3A_205 {
        %get3A = arith.index_cast %add3A_192 : i32 to index
        %get3A_275 = arith.constant 0 : index
        %get3A_276 = tpu.vector_load %arg7[%get3A, %get3A_275] {strides = array<i32>} : memref<250x80xi32, #tpu.memory_space<vmem>>, vector<1x16xi32>,
        %get3A_277 = vector.shape_cast %get3A_276 : vector<1x16xi32> to vector<16xi32>
        %mul3A_278 = arith.constant 2 : i32
        %mul3A_279 = vector.broadcast %mul3A_278 : i32 to vector<16xi32>
        %mul3A_280 = arith.muli %get3A_277, %mul3A_279 : vector<16xi32>
        %add3A_281 = vector.broadcast %arg0 : i32 to vector<16xi32>
        %add3A_282 = arith.addi %mul3A_280, %add3A_281 : vector<16xi32>
        %swap3A = arith.constant 0 : index
        %swap3A_283 = tpu.vector_load %arg11[%swap3A] {strides = array<i32>} : memref<80xi32, #tpu.memory_space<vmem>>, vector<16xi32>,
        %swap3A_284 = vector.shape_cast %swap3A_283 : vector<16xi32> to vector<16xi32>
        %swap3A_285 = vector.shape_cast %add3A_282 : vector<16xi32> to vector<16xi32>
        tpu.vector_store %arg11[%swap3A], %swap3A_285 {strides = array<i32>} : memref<80xi32, #tpu.memory_space<vmem>>, vector<16xi32>,
        %get3A_286 = arith.index_cast %add3A_192 : i32 to index
        %get3A_287 = arith.constant 0 : index
        %get3A_288 = tpu.vector_load %arg8[%get3A_286, %get3A_287] {strides = array<i32>} : memref<250x80xi32, #tpu.memory_space<vmem>>, vector<1x16xi32>,
        %get3A_289 = vector.shape_cast %get3A_288 : vector<1x16xi32> to vector<16xi32>
        %swap3A_290 = arith.constant 0 : index
        %swap3A_291 = tpu.vector_load %arg15[%swap3A_290] {strides = array<i32>} : memref<80xi32, #tpu.memory_space<vmem>>, vector<16xi32>,
        %swap3A_292 = vector.shape_cast %swap3A_291 : vector<16xi32> to vector<16xi32>
        %swap3A_293 = vector.shape_cast %get3A_289 : vector<16xi32> to vector<16xi32>
        tpu.vector_store %arg15[%swap3A_290], %swap3A_293 {strides = array<i32>} : memref<80xi32, #tpu.memory_space<vmem>>, vector<16xi32>,
        %get3A_294 = arith.index_cast %add3A_192 : i32 to index
        %get3A_295 = arith.constant 16 : index
        %get3A_296 = tpu.vector_load %arg7[%get3A_294, %get3A_295] {strides = array<i32>} : memref<250x80xi32, #tpu.memory_space<vmem>>, vector<1x16xi32>,
        %get3A_297 = vector.shape_cast %get3A_296 : vector<1x16xi32> to vector<16xi32>
        %mul3A_298 = arith.constant 2 : i32
        %mul3A_299 = vector.broadcast %mul3A_298 : i32 to vector<16xi32>
        %mul3A_300 = arith.muli %get3A_297, %mul3A_299 : vector<16xi32>
        %add3A_301 = vector.broadcast %arg0 : i32 to vector<16xi32>
        %add3A_302 = arith.addi %mul3A_300, %add3A_301 : vector<16xi32>
        %swap3A_303 = arith.constant 16 : index
        %swap3A_304 = tpu.vector_load %arg11[%swap3A_303] {strides = array<i32>} : memref<80xi32, #tpu.memory_space<vmem>>, vector<16xi32>,
        %swap3A_305 = vector.shape_cast %swap3A_304 : vector<16xi32> to vector<16xi32>
        %swap3A_306 = vector.shape_cast %add3A_302 : vector<16xi32> to vector<16xi32>
        tpu.vector_store %arg11[%swap3A_303], %swap3A_306 {strides = array<i32>} : memref<80xi32, #tpu.memory_space<vmem>>, vector<16xi32>,
        %get3A_307 = arith.index_cast %add3A_192 : i32 to index
        %get3A_308 = arith.constant 16 : index
        %get3A_309 = tpu.vector_load %arg8[%get3A_307, %get3A_308] {strides = array<i32>} : memref<250x80xi32, #tpu.memory_space<vmem>>, vector<1x16xi32>,
        %get3A_310 = vector.shape_cast %get3A_309 : vector<1x16xi32> to vector<16xi32>
        %swap3A_311 = arith.constant 16 : index
        %swap3A_312 = tpu.vector_load %arg15[%swap3A_311] {strides = array<i32>} : memref<80xi32, #tpu.memory_space<vmem>>, vector<16xi32>,
        %swap3A_313 = vector.shape_cast %swap3A_312 : vector<16xi32> to vector<16xi32>
        %swap3A_314 = vector.shape_cast %get3A_310 : vector<16xi32> to vector<16xi32>
        tpu.vector_store %arg15[%swap3A_311], %swap3A_314 {strides = array<i32>} : memref<80xi32, #tpu.memory_space<vmem>>, vector<16xi32>,
        %get3A_315 = arith.index_cast %add3A_192 : i32 to index
        %get3A_316 = arith.constant 32 : index
        %get3A_317 = tpu.vector_load %arg7[%get3A_315, %get3A_316] {strides = array<i32>} : memref<250x80xi32, #tpu.memory_space<vmem>>, vector<1x16xi32>,
        %get3A_318 = vector.shape_cast %get3A_317 : vector<1x16xi32> to vector<16xi32>
        %mul3A_319 = arith.constant 2 : i32
        %mul3A_320 = vector.broadcast %mul3A_319 : i32 to vector<16xi32>
        %mul3A_321 = arith.muli %get3A_318, %mul3A_320 : vector<16xi32>
        %add3A_322 = vector.broadcast %arg0 : i32 to vector<16xi32>
        %add3A_323 = arith.addi %mul3A_321, %add3A_322 : vector<16xi32>
        %swap3A_324 = arith.constant 32 : index
        %swap3A_325 = tpu.vector_load %arg11[%swap3A_324] {strides = array<i32>} : memref<80xi32, #tpu.memory_space<vmem>>, vector<16xi32>,
        %swap3A_326 = vector.shape_cast %swap3A_325 : vector<16xi32> to vector<16xi32>
        %swap3A_327 = vector.shape_cast %add3A_323 : vector<16xi32> to vector<16xi32>
        tpu.vector_store %arg11[%swap3A_324], %swap3A_327 {strides = array<i32>} : memref<80xi32, #tpu.memory_space<vmem>>, vector<16xi32>,
        %get3A_328 = arith.index_cast %add3A_192 : i32 to index
        %get3A_329 = arith.constant 32 : index
        %get3A_330 = tpu.vector_load %arg8[%get3A_328, %get3A_329] {strides = array<i32>} : memref<250x80xi32, #tpu.memory_space<vmem>>, vector<1x16xi32>,
        %get3A_331 = vector.shape_cast %get3A_330 : vector<1x16xi32> to vector<16xi32>
        %swap3A_332 = arith.constant 32 : index
        %swap3A_333 = tpu.vector_load %arg15[%swap3A_332] {strides = array<i32>} : memref<80xi32, #tpu.memory_space<vmem>>, vector<16xi32>,
        %swap3A_334 = vector.shape_cast %swap3A_333 : vector<16xi32> to vector<16xi32>
        %swap3A_335 = vector.shape_cast %get3A_331 : vector<16xi32> to vector<16xi32>
        tpu.vector_store %arg15[%swap3A_332], %swap3A_335 {strides = array<i32>} : memref<80xi32, #tpu.memory_space<vmem>>, vector<16xi32>,
        %get3A_336 = arith.index_cast %add3A_192 : i32 to index
        %get3A_337 = arith.constant 48 : index
        %get3A_338 = tpu.vector_load %arg7[%get3A_336, %get3A_337] {strides = array<i32>} : memref<250x80xi32, #tpu.memory_space<vmem>>, vector<1x16xi32>,
        %get3A_339 = vector.shape_cast %get3A_338 : vector<1x16xi32> to vector<16xi32>
        %mul3A_340 = arith.constant 2 : i32
        %mul3A_341 = vector.broadcast %mul3A_340 : i32 to vector<16xi32>
        %mul3A_342 = arith.muli %get3A_339, %mul3A_341 : vector<16xi32>
        %add3A_343 = vector.broadcast %arg0 : i32 to vector<16xi32>
        %add3A_344 = arith.addi %mul3A_342, %add3A_343 : vector<16xi32>
        %swap3A_345 = arith.constant 48 : index
        %swap3A_346 = tpu.vector_load %arg11[%swap3A_345] {strides = array<i32>} : memref<80xi32, #tpu.memory_space<vmem>>, vector<16xi32>,
        %swap3A_347 = vector.shape_cast %swap3A_346 : vector<16xi32> to vector<16xi32>
        %swap3A_348 = vector.shape_cast %add3A_344 : vector<16xi32> to vector<16xi32>
        tpu.vector_store %arg11[%swap3A_345], %swap3A_348 {strides = array<i32>} : memref<80xi32, #tpu.memory_space<vmem>>, vector<16xi32>,
        %get3A_349 = arith.index_cast %add3A_192 : i32 to index
        %get3A_350 = arith.constant 48 : index
        %get3A_351 = tpu.vector_load %arg8[%get3A_349, %get3A_350] {strides = array<i32>} : memref<250x80xi32, #tpu.memory_space<vmem>>, vector<1x16xi32>,
        %get3A_352 = vector.shape_cast %get3A_351 : vector<1x16xi32> to vector<16xi32>
        %swap3A_353 = arith.constant 48 : index
        %swap3A_354 = tpu.vector_load %arg15[%swap3A_353] {strides = array<i32>} : memref<80xi32, #tpu.memory_space<vmem>>, vector<16xi32>,
        %swap3A_355 = vector.shape_cast %swap3A_354 : vector<16xi32> to vector<16xi32>
        %swap3A_356 = vector.shape_cast %get3A_352 : vector<16xi32> to vector<16xi32>
        tpu.vector_store %arg15[%swap3A_353], %swap3A_356 {strides = array<i32>} : memref<80xi32, #tpu.memory_space<vmem>>, vector<16xi32>,
        %get3A_357 = arith.index_cast %add3A_192 : i32 to index
        %get3A_358 = arith.constant 64 : index
        %get3A_359 = tpu.vector_load %arg7[%get3A_357, %get3A_358] {strides = array<i32>} : memref<250x80xi32, #tpu.memory_space<vmem>>, vector<1x16xi32>,
        %get3A_360 = vector.shape_cast %get3A_359 : vector<1x16xi32> to vector<16xi32>
        %mul3A_361 = arith.constant 2 : i32
        %mul3A_362 = vector.broadcast %mul3A_361 : i32 to vector<16xi32>
        %mul3A_363 = arith.muli %get3A_360, %mul3A_362 : vector<16xi32>
        %add3A_364 = vector.broadcast %arg0 : i32 to vector<16xi32>
        %add3A_365 = arith.addi %mul3A_363, %add3A_364 : vector<16xi32>
        %swap3A_366 = arith.constant 64 : index
        %swap3A_367 = tpu.vector_load %arg11[%swap3A_366] {strides = array<i32>} : memref<80xi32, #tpu.memory_space<vmem>>, vector<16xi32>,
        %swap3A_368 = vector.shape_cast %swap3A_367 : vector<16xi32> to vector<16xi32>
        %swap3A_369 = vector.shape_cast %add3A_365 : vector<16xi32> to vector<16xi32>
        tpu.vector_store %arg11[%swap3A_366], %swap3A_369 {strides = array<i32>} : memref<80xi32, #tpu.memory_space<vmem>>, vector<16xi32>,
        %get3A_370 = arith.index_cast %add3A_192 : i32 to index
        %get3A_371 = arith.constant 64 : index
        %get3A_372 = tpu.vector_load %arg8[%get3A_370, %get3A_371] {strides = array<i32>} : memref<250x80xi32, #tpu.memory_space<vmem>>, vector<1x16xi32>,
        %get3A_373 = vector.shape_cast %get3A_372 : vector<1x16xi32> to vector<16xi32>
        %swap3A_374 = arith.constant 64 : index
        %swap3A_375 = tpu.vector_load %arg15[%swap3A_374] {strides = array<i32>} : memref<80xi32, #tpu.memory_space<vmem>>, vector<16xi32>,
        %swap3A_376 = vector.shape_cast %swap3A_375 : vector<16xi32> to vector<16xi32>
        %swap3A_377 = vector.shape_cast %get3A_373 : vector<16xi32> to vector<16xi32>
        tpu.vector_store %arg15[%swap3A_374], %swap3A_377 {strides = array<i32>} : memref<80xi32, #tpu.memory_space<vmem>>, vector<16xi32>,
        %dma_start3A_378 = arith.constant 0 : i32
        %dma_start3A_379 = arith.constant 0 : i32
        %dma_start3A_380 = tpu.memref_slice %arg2[%dma_start3A_378, %dma_start3A_379] : memref<20000x64xf32, #tpu.memory_space<hbm>> -> memref<20000x64xf32, #tpu.memory_space<hbm>>
        tpu.enqueue_indirect_dma source(%dma_start3A_380 : memref<20000x64xf32, #tpu.memory_space<hbm>>) target(%arg23 : memref<80x64xf32, #tpu.memory_space<vmem>>) offsets(%arg11 : memref<80xi32, #tpu.memory_space<vmem>>) semaphore(%arg33 : memref<!tpu.dma_semaphore, #tpu.memory_space<semaphore_mem>>)
      } else {
      }
      %sub3A_206 = arith.constant 2 : i32
      %sub3A_207 = arith.subi %add3A_192, %sub3A_206 : i32
      %ge3A_208 = arith.constant 0 : i32
      %ge3A_209 = arith.cmpi sge, %sub3A_207, %ge3A_208 : i32
      %lt3A_210 = arith.constant 250 : i32
      %lt3A_211 = arith.cmpi slt, %sub3A_207, %lt3A_210 : i32
      %and3A_212 = arith.andi %ge3A_209, %lt3A_211 : i1
      %convert_element_type3A_213 = arith.extui %and3A_212 : i1 to i32
      %cond3A_214 = arith.constant 0 : i32
      %cond3A_215 = arith.cmpi ne, %convert_element_type3A_213, %cond3A_214 : i32
      scf.if %cond3A_215 {
        %dma_wait3A_275 = arith.constant 0 : i32
        %dma_wait3A_276 = arith.constant 0 : i32
        %dma_wait3A_277 = tpu.memref_slice %arg2[%dma_wait3A_275, %dma_wait3A_276] : memref<20000x64xf32, #tpu.memory_space<hbm>> -> memref<20000x64xf32, #tpu.memory_space<hbm>>
        tpu.wait_indirect_dma semaphore(%arg31 : memref<!tpu.dma_semaphore, #tpu.memory_space<semaphore_mem>>) src(%dma_wait3A_277 : memref<20000x64xf32, #tpu.memory_space<hbm>>) dst(%arg21 : memref<80x64xf32, #tpu.memory_space<vmem>>)
        %dma_start3A_278 = arith.constant 0 : i32
        %dma_start3A_279 = arith.constant 0 : i32
        %dma_start3A_280 = tpu.memref_slice %arg28[%dma_start3A_278, %dma_start3A_279] : memref<10112x64xf32, #tpu.memory_space<vmem_shared>> -> memref<10112x64xf32, #tpu.memory_space<vmem_shared>>
        tpu.enqueue_indirect_dma source(%arg21 : memref<80x64xf32, #tpu.memory_space<vmem>>) target(%dma_start3A_280 : memref<10112x64xf32, #tpu.memory_space<vmem_shared>>) offsets(%arg13 : memref<80xi32, #tpu.memory_space<vmem>>) semaphore(%arg35 : memref<!tpu.dma_semaphore, #tpu.memory_space<semaphore_mem>>) {add = true}
      } else {
      }
      %ge3A_216 = arith.constant 0 : i32
      %ge3A_217 = arith.cmpi sge, %sub3A_207, %ge3A_216 : i32
      %lt3A_218 = arith.constant 250 : i32
      %lt3A_219 = arith.cmpi slt, %sub3A_207, %lt3A_218 : i32
      %and3A_220 = arith.andi %ge3A_217, %lt3A_219 : i1
      %lt3A_221 = arith.constant 125 : i32
      %lt3A_222 = arith.cmpi slt, %sub3A_207, %lt3A_221 : i32
      %eq3A_223 = arith.constant 0 : i32
      %eq3A_224 = arith.cmpi eq, %arg0, %eq3A_223 : i32
      %eq3A_225 = arith.xori %lt3A_222, %eq3A_224 : i1
      %eq3A_226 = arith.constant true
      %eq3A_227 = arith.xori %eq3A_225, %eq3A_226 : i1
      %and3A_228 = arith.andi %and3A_220, %eq3A_227 : i1
      %convert_element_type3A_229 = arith.extui %and3A_228 : i1 to i32
      %cond3A_230 = arith.constant 0 : i32
      %cond3A_231 = arith.cmpi ne, %convert_element_type3A_229, %cond3A_230 : i32
      scf.if %cond3A_231 {
        %sub3A_275 = arith.constant 4 : i32
        %sub3A_276 = arith.subi %sub3A_207, %sub3A_275 : i32
        %ge3A_277 = arith.constant 0 : i32
        %ge3A_278 = arith.cmpi sge, %sub3A_276, %ge3A_277 : i32
        %sub3A_279 = arith.constant 4 : i32
        %sub3A_280 = arith.subi %sub3A_207, %sub3A_279 : i32
        %lt3A_281 = arith.constant 125 : i32
        %lt3A_282 = arith.cmpi slt, %sub3A_280, %lt3A_281 : i32
        %eq3A_283 = arith.constant 0 : i32
        %eq3A_284 = arith.cmpi eq, %arg0, %eq3A_283 : i32
        %eq3A_285 = arith.xori %lt3A_282, %eq3A_284 : i1
        %eq3A_286 = arith.constant true
        %eq3A_287 = arith.xori %eq3A_285, %eq3A_286 : i1
        %and3A_288 = arith.andi %ge3A_278, %eq3A_287 : i1
        %convert_element_type3A_289 = arith.extui %and3A_288 : i1 to i32
        %cond3A_290 = arith.constant 0 : i32
        %cond3A_291 = arith.cmpi ne, %convert_element_type3A_289, %cond3A_290 : i32
        scf.if %cond3A_291 {
          %dma_wait3A_328 = arith.constant 0 : i32
          %dma_wait3A_329 = arith.constant 0 : i32
          %dma_wait3A_330 = tpu.memref_slice %arg29[%dma_wait3A_328, %dma_wait3A_329] : memref<10112x16xf32, #tpu.memory_space<vmem_shared>> -> memref<10112x16xf32, #tpu.memory_space<vmem_shared>>
          tpu.wait_indirect_dma semaphore(%arg39 : memref<!tpu.dma_semaphore, #tpu.memory_space<semaphore_mem>>) src(%arg25 : memref<80x16xf32, #tpu.memory_space<vmem>>) dst(%dma_wait3A_330 : memref<10112x16xf32, #tpu.memory_space<vmem_shared>>)
        } else {
        }
        %get3A = arith.constant 0 : index
        %get3A_292 = tpu.vector_load %arg13[%get3A] {strides = array<i32>} : memref<80xi32, #tpu.memory_space<vmem>>, vector<16xi32>,
        %get3A_293 = vector.shape_cast %get3A_292 : vector<16xi32> to vector<16xi32>
        %swap3A = arith.constant 0 : index
        %swap3A_294 = tpu.vector_load %arg17[%swap3A] {strides = array<i32>} : memref<80xi32, #tpu.memory_space<vmem>>, vector<16xi32>,
        %swap3A_295 = vector.shape_cast %swap3A_294 : vector<16xi32> to vector<16xi32>
        %swap3A_296 = vector.shape_cast %get3A_293 : vector<16xi32> to vector<16xi32>
        tpu.vector_store %arg17[%swap3A], %swap3A_296 {strides = array<i32>} : memref<80xi32, #tpu.memory_space<vmem>>, vector<16xi32>,
        %get3A_297 = arith.constant 16 : index
        %get3A_298 = tpu.vector_load %arg13[%get3A_297] {strides = array<i32>} : memref<80xi32, #tpu.memory_space<vmem>>, vector<16xi32>,
        %get3A_299 = vector.shape_cast %get3A_298 : vector<16xi32> to vector<16xi32>
        %swap3A_300 = arith.constant 16 : index
        %swap3A_301 = tpu.vector_load %arg17[%swap3A_300] {strides = array<i32>} : memref<80xi32, #tpu.memory_space<vmem>>, vector<16xi32>,
        %swap3A_302 = vector.shape_cast %swap3A_301 : vector<16xi32> to vector<16xi32>
        %swap3A_303 = vector.shape_cast %get3A_299 : vector<16xi32> to vector<16xi32>
        tpu.vector_store %arg17[%swap3A_300], %swap3A_303 {strides = array<i32>} : memref<80xi32, #tpu.memory_space<vmem>>, vector<16xi32>,
        %get3A_304 = arith.constant 32 : index
        %get3A_305 = tpu.vector_load %arg13[%get3A_304] {strides = array<i32>} : memref<80xi32, #tpu.memory_space<vmem>>, vector<16xi32>,
        %get3A_306 = vector.shape_cast %get3A_305 : vector<16xi32> to vector<16xi32>
        %swap3A_307 = arith.constant 32 : index
        %swap3A_308 = tpu.vector_load %arg17[%swap3A_307] {strides = array<i32>} : memref<80xi32, #tpu.memory_space<vmem>>, vector<16xi32>,
        %swap3A_309 = vector.shape_cast %swap3A_308 : vector<16xi32> to vector<16xi32>
        %swap3A_310 = vector.shape_cast %get3A_306 : vector<16xi32> to vector<16xi32>
        tpu.vector_store %arg17[%swap3A_307], %swap3A_310 {strides = array<i32>} : memref<80xi32, #tpu.memory_space<vmem>>, vector<16xi32>,
        %get3A_311 = arith.constant 48 : index
        %get3A_312 = tpu.vector_load %arg13[%get3A_311] {strides = array<i32>} : memref<80xi32, #tpu.memory_space<vmem>>, vector<16xi32>,
        %get3A_313 = vector.shape_cast %get3A_312 : vector<16xi32> to vector<16xi32>
        %swap3A_314 = arith.constant 48 : index
        %swap3A_315 = tpu.vector_load %arg17[%swap3A_314] {strides = array<i32>} : memref<80xi32, #tpu.memory_space<vmem>>, vector<16xi32>,
        %swap3A_316 = vector.shape_cast %swap3A_315 : vector<16xi32> to vector<16xi32>
        %swap3A_317 = vector.shape_cast %get3A_313 : vector<16xi32> to vector<16xi32>
        tpu.vector_store %arg17[%swap3A_314], %swap3A_317 {strides = array<i32>} : memref<80xi32, #tpu.memory_space<vmem>>, vector<16xi32>,
        %get3A_318 = arith.constant 64 : index
        %get3A_319 = tpu.vector_load %arg13[%get3A_318] {strides = array<i32>} : memref<80xi32, #tpu.memory_space<vmem>>, vector<16xi32>,
        %get3A_320 = vector.shape_cast %get3A_319 : vector<16xi32> to vector<16xi32>
        %swap3A_321 = arith.constant 64 : index
        %swap3A_322 = tpu.vector_load %arg17[%swap3A_321] {strides = array<i32>} : memref<80xi32, #tpu.memory_space<vmem>>, vector<16xi32>,
        %swap3A_323 = vector.shape_cast %swap3A_322 : vector<16xi32> to vector<16xi32>
        %swap3A_324 = vector.shape_cast %get3A_320 : vector<16xi32> to vector<16xi32>
        tpu.vector_store %arg17[%swap3A_321], %swap3A_324 {strides = array<i32>} : memref<80xi32, #tpu.memory_space<vmem>>, vector<16xi32>,
        %dma_start3A_325 = arith.constant 0 : i32
        %dma_start3A_326 = arith.constant 0 : i32
        %dma_start3A_327 = tpu.memref_slice %arg29[%dma_start3A_325, %dma_start3A_326] : memref<10112x16xf32, #tpu.memory_space<vmem_shared>> -> memref<10112x16xf32, #tpu.memory_space<vmem_shared>>
        tpu.enqueue_indirect_dma source(%arg25 : memref<80x16xf32, #tpu.memory_space<vmem>>) target(%dma_start3A_327 : memref<10112x16xf32, #tpu.memory_space<vmem_shared>>) offsets(%arg17 : memref<80xi32, #tpu.memory_space<vmem>>) semaphore(%arg39 : memref<!tpu.dma_semaphore, #tpu.memory_space<semaphore_mem>>) {add = true}
      } else {
      }
      %mul3A_232 = arith.constant 4 : i32
      %mul3A_233 = arith.muli %scan3A_109, %mul3A_232 : i32
      %add3A_234 = arith.constant 3 : i32
      %add3A_235 = arith.addi %mul3A_233, %add3A_234 : i32
      %ge3A_236 = arith.constant 4 : i32
      %ge3A_237 = arith.cmpi sge, %add3A_235, %ge3A_236 : i32
      %lt3A_238 = arith.constant 250 : i32
      %lt3A_239 = arith.cmpi slt, %add3A_235, %lt3A_238 : i32
      %and3A_240 = arith.andi %ge3A_237, %lt3A_239 : i1
      %convert_element_type3A_241 = arith.extui %and3A_240 : i1 to i32
      %cond3A_242 = arith.constant 0 : i32
      %cond3A_243 = arith.cmpi ne, %convert_element_type3A_241, %cond3A_242 : i32
      scf.if %cond3A_243 {
        %dma_wait3A_275 = arith.constant 0 : i32
        %dma_wait3A_276 = arith.constant 0 : i32
        %dma_wait3A_277 = tpu.memref_slice %arg28[%dma_wait3A_275, %dma_wait3A_276] : memref<10112x64xf32, #tpu.memory_space<vmem_shared>> -> memref<10112x64xf32, #tpu.memory_space<vmem_shared>>
        tpu.wait_indirect_dma semaphore(%arg38 : memref<!tpu.dma_semaphore, #tpu.memory_space<semaphore_mem>>) src(%arg24 : memref<80x64xf32, #tpu.memory_space<vmem>>) dst(%dma_wait3A_277 : memref<10112x64xf32, #tpu.memory_space<vmem_shared>>)
      } else {
      }
      %lt3A_244 = arith.constant 250 : i32
      %lt3A_245 = arith.cmpi slt, %add3A_235, %lt3A_244 : i32
      %convert_element_type3A_246 = arith.extui %lt3A_245 : i1 to i32
      %cond3A_247 = arith.constant 0 : i32
      %cond3A_248 = arith.cmpi ne, %convert_element_type3A_246, %cond3A_247 : i32
      scf.if %cond3A_248 {
        %get3A = arith.index_cast %add3A_235 : i32 to index
        %get3A_275 = arith.constant 0 : index
        %get3A_276 = tpu.vector_load %arg7[%get3A, %get3A_275] {strides = array<i32>} : memref<250x80xi32, #tpu.memory_space<vmem>>, vector<1x16xi32>,
        %get3A_277 = vector.shape_cast %get3A_276 : vector<1x16xi32> to vector<16xi32>
        %mul3A_278 = arith.constant 2 : i32
        %mul3A_279 = vector.broadcast %mul3A_278 : i32 to vector<16xi32>
        %mul3A_280 = arith.muli %get3A_277, %mul3A_279 : vector<16xi32>
        %add3A_281 = vector.broadcast %arg0 : i32 to vector<16xi32>
        %add3A_282 = arith.addi %mul3A_280, %add3A_281 : vector<16xi32>
        %swap3A = arith.constant 0 : index
        %swap3A_283 = tpu.vector_load %arg12[%swap3A] {strides = array<i32>} : memref<80xi32, #tpu.memory_space<vmem>>, vector<16xi32>,
        %swap3A_284 = vector.shape_cast %swap3A_283 : vector<16xi32> to vector<16xi32>
        %swap3A_285 = vector.shape_cast %add3A_282 : vector<16xi32> to vector<16xi32>
        tpu.vector_store %arg12[%swap3A], %swap3A_285 {strides = array<i32>} : memref<80xi32, #tpu.memory_space<vmem>>, vector<16xi32>,
        %get3A_286 = arith.index_cast %add3A_235 : i32 to index
        %get3A_287 = arith.constant 0 : index
        %get3A_288 = tpu.vector_load %arg8[%get3A_286, %get3A_287] {strides = array<i32>} : memref<250x80xi32, #tpu.memory_space<vmem>>, vector<1x16xi32>,
        %get3A_289 = vector.shape_cast %get3A_288 : vector<1x16xi32> to vector<16xi32>
        %swap3A_290 = arith.constant 0 : index
        %swap3A_291 = tpu.vector_load %arg16[%swap3A_290] {strides = array<i32>} : memref<80xi32, #tpu.memory_space<vmem>>, vector<16xi32>,
        %swap3A_292 = vector.shape_cast %swap3A_291 : vector<16xi32> to vector<16xi32>
        %swap3A_293 = vector.shape_cast %get3A_289 : vector<16xi32> to vector<16xi32>
        tpu.vector_store %arg16[%swap3A_290], %swap3A_293 {strides = array<i32>} : memref<80xi32, #tpu.memory_space<vmem>>, vector<16xi32>,
        %get3A_294 = arith.index_cast %add3A_235 : i32 to index
        %get3A_295 = arith.constant 16 : index
        %get3A_296 = tpu.vector_load %arg7[%get3A_294, %get3A_295] {strides = array<i32>} : memref<250x80xi32, #tpu.memory_space<vmem>>, vector<1x16xi32>,
        %get3A_297 = vector.shape_cast %get3A_296 : vector<1x16xi32> to vector<16xi32>
        %mul3A_298 = arith.constant 2 : i32
        %mul3A_299 = vector.broadcast %mul3A_298 : i32 to vector<16xi32>
        %mul3A_300 = arith.muli %get3A_297, %mul3A_299 : vector<16xi32>
        %add3A_301 = vector.broadcast %arg0 : i32 to vector<16xi32>
        %add3A_302 = arith.addi %mul3A_300, %add3A_301 : vector<16xi32>
        %swap3A_303 = arith.constant 16 : index
        %swap3A_304 = tpu.vector_load %arg12[%swap3A_303] {strides = array<i32>} : memref<80xi32, #tpu.memory_space<vmem>>, vector<16xi32>,
        %swap3A_305 = vector.shape_cast %swap3A_304 : vector<16xi32> to vector<16xi32>
        %swap3A_306 = vector.shape_cast %add3A_302 : vector<16xi32> to vector<16xi32>
        tpu.vector_store %arg12[%swap3A_303], %swap3A_306 {strides = array<i32>} : memref<80xi32, #tpu.memory_space<vmem>>, vector<16xi32>,
        %get3A_307 = arith.index_cast %add3A_235 : i32 to index
        %get3A_308 = arith.constant 16 : index
        %get3A_309 = tpu.vector_load %arg8[%get3A_307, %get3A_308] {strides = array<i32>} : memref<250x80xi32, #tpu.memory_space<vmem>>, vector<1x16xi32>,
        %get3A_310 = vector.shape_cast %get3A_309 : vector<1x16xi32> to vector<16xi32>
        %swap3A_311 = arith.constant 16 : index
        %swap3A_312 = tpu.vector_load %arg16[%swap3A_311] {strides = array<i32>} : memref<80xi32, #tpu.memory_space<vmem>>, vector<16xi32>,
        %swap3A_313 = vector.shape_cast %swap3A_312 : vector<16xi32> to vector<16xi32>
        %swap3A_314 = vector.shape_cast %get3A_310 : vector<16xi32> to vector<16xi32>
        tpu.vector_store %arg16[%swap3A_311], %swap3A_314 {strides = array<i32>} : memref<80xi32, #tpu.memory_space<vmem>>, vector<16xi32>,
        %get3A_315 = arith.index_cast %add3A_235 : i32 to index
        %get3A_316 = arith.constant 32 : index
        %get3A_317 = tpu.vector_load %arg7[%get3A_315, %get3A_316] {strides = array<i32>} : memref<250x80xi32, #tpu.memory_space<vmem>>, vector<1x16xi32>,
        %get3A_318 = vector.shape_cast %get3A_317 : vector<1x16xi32> to vector<16xi32>
        %mul3A_319 = arith.constant 2 : i32
        %mul3A_320 = vector.broadcast %mul3A_319 : i32 to vector<16xi32>
        %mul3A_321 = arith.muli %get3A_318, %mul3A_320 : vector<16xi32>
        %add3A_322 = vector.broadcast %arg0 : i32 to vector<16xi32>
        %add3A_323 = arith.addi %mul3A_321, %add3A_322 : vector<16xi32>
        %swap3A_324 = arith.constant 32 : index
        %swap3A_325 = tpu.vector_load %arg12[%swap3A_324] {strides = array<i32>} : memref<80xi32, #tpu.memory_space<vmem>>, vector<16xi32>,
        %swap3A_326 = vector.shape_cast %swap3A_325 : vector<16xi32> to vector<16xi32>
        %swap3A_327 = vector.shape_cast %add3A_323 : vector<16xi32> to vector<16xi32>
        tpu.vector_store %arg12[%swap3A_324], %swap3A_327 {strides = array<i32>} : memref<80xi32, #tpu.memory_space<vmem>>, vector<16xi32>,
        %get3A_328 = arith.index_cast %add3A_235 : i32 to index
        %get3A_329 = arith.constant 32 : index
        %get3A_330 = tpu.vector_load %arg8[%get3A_328, %get3A_329] {strides = array<i32>} : memref<250x80xi32, #tpu.memory_space<vmem>>, vector<1x16xi32>,
        %get3A_331 = vector.shape_cast %get3A_330 : vector<1x16xi32> to vector<16xi32>
        %swap3A_332 = arith.constant 32 : index
        %swap3A_333 = tpu.vector_load %arg16[%swap3A_332] {strides = array<i32>} : memref<80xi32, #tpu.memory_space<vmem>>, vector<16xi32>,
        %swap3A_334 = vector.shape_cast %swap3A_333 : vector<16xi32> to vector<16xi32>
        %swap3A_335 = vector.shape_cast %get3A_331 : vector<16xi32> to vector<16xi32>
        tpu.vector_store %arg16[%swap3A_332], %swap3A_335 {strides = array<i32>} : memref<80xi32, #tpu.memory_space<vmem>>, vector<16xi32>,
        %get3A_336 = arith.index_cast %add3A_235 : i32 to index
        %get3A_337 = arith.constant 48 : index
        %get3A_338 = tpu.vector_load %arg7[%get3A_336, %get3A_337] {strides = array<i32>} : memref<250x80xi32, #tpu.memory_space<vmem>>, vector<1x16xi32>,
        %get3A_339 = vector.shape_cast %get3A_338 : vector<1x16xi32> to vector<16xi32>
        %mul3A_340 = arith.constant 2 : i32
        %mul3A_341 = vector.broadcast %mul3A_340 : i32 to vector<16xi32>
        %mul3A_342 = arith.muli %get3A_339, %mul3A_341 : vector<16xi32>
        %add3A_343 = vector.broadcast %arg0 : i32 to vector<16xi32>
        %add3A_344 = arith.addi %mul3A_342, %add3A_343 : vector<16xi32>
        %swap3A_345 = arith.constant 48 : index
        %swap3A_346 = tpu.vector_load %arg12[%swap3A_345] {strides = array<i32>} : memref<80xi32, #tpu.memory_space<vmem>>, vector<16xi32>,
        %swap3A_347 = vector.shape_cast %swap3A_346 : vector<16xi32> to vector<16xi32>
        %swap3A_348 = vector.shape_cast %add3A_344 : vector<16xi32> to vector<16xi32>
        tpu.vector_store %arg12[%swap3A_345], %swap3A_348 {strides = array<i32>} : memref<80xi32, #tpu.memory_space<vmem>>, vector<16xi32>,
        %get3A_349 = arith.index_cast %add3A_235 : i32 to index
        %get3A_350 = arith.constant 48 : index
        %get3A_351 = tpu.vector_load %arg8[%get3A_349, %get3A_350] {strides = array<i32>} : memref<250x80xi32, #tpu.memory_space<vmem>>, vector<1x16xi32>,
        %get3A_352 = vector.shape_cast %get3A_351 : vector<1x16xi32> to vector<16xi32>
        %swap3A_353 = arith.constant 48 : index
        %swap3A_354 = tpu.vector_load %arg16[%swap3A_353] {strides = array<i32>} : memref<80xi32, #tpu.memory_space<vmem>>, vector<16xi32>,
        %swap3A_355 = vector.shape_cast %swap3A_354 : vector<16xi32> to vector<16xi32>
        %swap3A_356 = vector.shape_cast %get3A_352 : vector<16xi32> to vector<16xi32>
        tpu.vector_store %arg16[%swap3A_353], %swap3A_356 {strides = array<i32>} : memref<80xi32, #tpu.memory_space<vmem>>, vector<16xi32>,
        %get3A_357 = arith.index_cast %add3A_235 : i32 to index
        %get3A_358 = arith.constant 64 : index
        %get3A_359 = tpu.vector_load %arg7[%get3A_357, %get3A_358] {strides = array<i32>} : memref<250x80xi32, #tpu.memory_space<vmem>>, vector<1x16xi32>,
        %get3A_360 = vector.shape_cast %get3A_359 : vector<1x16xi32> to vector<16xi32>
        %mul3A_361 = arith.constant 2 : i32
        %mul3A_362 = vector.broadcast %mul3A_361 : i32 to vector<16xi32>
        %mul3A_363 = arith.muli %get3A_360, %mul3A_362 : vector<16xi32>
        %add3A_364 = vector.broadcast %arg0 : i32 to vector<16xi32>
        %add3A_365 = arith.addi %mul3A_363, %add3A_364 : vector<16xi32>
        %swap3A_366 = arith.constant 64 : index
        %swap3A_367 = tpu.vector_load %arg12[%swap3A_366] {strides = array<i32>} : memref<80xi32, #tpu.memory_space<vmem>>, vector<16xi32>,
        %swap3A_368 = vector.shape_cast %swap3A_367 : vector<16xi32> to vector<16xi32>
        %swap3A_369 = vector.shape_cast %add3A_365 : vector<16xi32> to vector<16xi32>
        tpu.vector_store %arg12[%swap3A_366], %swap3A_369 {strides = array<i32>} : memref<80xi32, #tpu.memory_space<vmem>>, vector<16xi32>,
        %get3A_370 = arith.index_cast %add3A_235 : i32 to index
        %get3A_371 = arith.constant 64 : index
        %get3A_372 = tpu.vector_load %arg8[%get3A_370, %get3A_371] {strides = array<i32>} : memref<250x80xi32, #tpu.memory_space<vmem>>, vector<1x16xi32>,
        %get3A_373 = vector.shape_cast %get3A_372 : vector<1x16xi32> to vector<16xi32>
        %swap3A_374 = arith.constant 64 : index
        %swap3A_375 = tpu.vector_load %arg16[%swap3A_374] {strides = array<i32>} : memref<80xi32, #tpu.memory_space<vmem>>, vector<16xi32>,
        %swap3A_376 = vector.shape_cast %swap3A_375 : vector<16xi32> to vector<16xi32>
        %swap3A_377 = vector.shape_cast %get3A_373 : vector<16xi32> to vector<16xi32>
        tpu.vector_store %arg16[%swap3A_374], %swap3A_377 {strides = array<i32>} : memref<80xi32, #tpu.memory_space<vmem>>, vector<16xi32>,
        %dma_start3A_378 = arith.constant 0 : i32
        %dma_start3A_379 = arith.constant 0 : i32
        %dma_start3A_380 = tpu.memref_slice %arg2[%dma_start3A_378, %dma_start3A_379] : memref<20000x64xf32, #tpu.memory_space<hbm>> -> memref<20000x64xf32, #tpu.memory_space<hbm>>
        tpu.enqueue_indirect_dma source(%dma_start3A_380 : memref<20000x64xf32, #tpu.memory_space<hbm>>) target(%arg24 : memref<80x64xf32, #tpu.memory_space<vmem>>) offsets(%arg12 : memref<80xi32, #tpu.memory_space<vmem>>) semaphore(%arg34 : memref<!tpu.dma_semaphore, #tpu.memory_space<semaphore_mem>>)
      } else {
      }
      %sub3A_249 = arith.constant 2 : i32
      %sub3A_250 = arith.subi %add3A_235, %sub3A_249 : i32
      %ge3A_251 = arith.constant 0 : i32
      %ge3A_252 = arith.cmpi sge, %sub3A_250, %ge3A_251 : i32
      %lt3A_253 = arith.constant 250 : i32
      %lt3A_254 = arith.cmpi slt, %sub3A_250, %lt3A_253 : i32
      %and3A_255 = arith.andi %ge3A_252, %lt3A_254 : i1
      %convert_element_type3A_256 = arith.extui %and3A_255 : i1 to i32
      %cond3A_257 = arith.constant 0 : i32
      %cond3A_258 = arith.cmpi ne, %convert_element_type3A_256, %cond3A_257 : i32
      scf.if %cond3A_258 {
        %dma_wait3A_275 = arith.constant 0 : i32
        %dma_wait3A_276 = arith.constant 0 : i32
        %dma_wait3A_277 = tpu.memref_slice %arg2[%dma_wait3A_275, %dma_wait3A_276] : memref<20000x64xf32, #tpu.memory_space<hbm>> -> memref<20000x64xf32, #tpu.memory_space<hbm>>
        tpu.wait_indirect_dma semaphore(%arg32 : memref<!tpu.dma_semaphore, #tpu.memory_space<semaphore_mem>>) src(%dma_wait3A_277 : memref<20000x64xf32, #tpu.memory_space<hbm>>) dst(%arg22 : memref<80x64xf32, #tpu.memory_space<vmem>>)
        %dma_start3A_278 = arith.constant 0 : i32
        %dma_start3A_279 = arith.constant 0 : i32
        %dma_start3A_280 = tpu.memref_slice %arg28[%dma_start3A_278, %dma_start3A_279] : memref<10112x64xf32, #tpu.memory_space<vmem_shared>> -> memref<10112x64xf32, #tpu.memory_space<vmem_shared>>
        tpu.enqueue_indirect_dma source(%arg22 : memref<80x64xf32, #tpu.memory_space<vmem>>) target(%dma_start3A_280 : memref<10112x64xf32, #tpu.memory_space<vmem_shared>>) offsets(%arg14 : memref<80xi32, #tpu.memory_space<vmem>>) semaphore(%arg36 : memref<!tpu.dma_semaphore, #tpu.memory_space<semaphore_mem>>) {add = true}
      } else {
      }
      %ge3A_259 = arith.constant 0 : i32
      %ge3A_260 = arith.cmpi sge, %sub3A_250, %ge3A_259 : i32
      %lt3A_261 = arith.constant 250 : i32
      %lt3A_262 = arith.cmpi slt, %sub3A_250, %lt3A_261 : i32
      %and3A_263 = arith.andi %ge3A_260, %lt3A_262 : i1
      %lt3A_264 = arith.constant 125 : i32
      %lt3A_265 = arith.cmpi slt, %sub3A_250, %lt3A_264 : i32
      %eq3A_266 = arith.constant 0 : i32
      %eq3A_267 = arith.cmpi eq, %arg0, %eq3A_266 : i32
      %eq3A_268 = arith.xori %lt3A_265, %eq3A_267 : i1
      %eq3A_269 = arith.constant true
      %eq3A_270 = arith.xori %eq3A_268, %eq3A_269 : i1
      %and3A_271 = arith.andi %and3A_263, %eq3A_270 : i1
      %convert_element_type3A_272 = arith.extui %and3A_271 : i1 to i32
      %cond3A_273 = arith.constant 0 : i32
      %cond3A_274 = arith.cmpi ne, %convert_element_type3A_272, %cond3A_273 : i32
      scf.if %cond3A_274 {
        %sub3A_275 = arith.constant 4 : i32
        %sub3A_276 = arith.subi %sub3A_250, %sub3A_275 : i32
        %ge3A_277 = arith.constant 0 : i32
        %ge3A_278 = arith.cmpi sge, %sub3A_276, %ge3A_277 : i32
        %sub3A_279 = arith.constant 4 : i32
        %sub3A_280 = arith.subi %sub3A_250, %sub3A_279 : i32
        %lt3A_281 = arith.constant 125 : i32
        %lt3A_282 = arith.cmpi slt, %sub3A_280, %lt3A_281 : i32
        %eq3A_283 = arith.constant 0 : i32
        %eq3A_284 = arith.cmpi eq, %arg0, %eq3A_283 : i32
        %eq3A_285 = arith.xori %lt3A_282, %eq3A_284 : i1
        %eq3A_286 = arith.constant true
        %eq3A_287 = arith.xori %eq3A_285, %eq3A_286 : i1
        %and3A_288 = arith.andi %ge3A_278, %eq3A_287 : i1
        %convert_element_type3A_289 = arith.extui %and3A_288 : i1 to i32
        %cond3A_290 = arith.constant 0 : i32
        %cond3A_291 = arith.cmpi ne, %convert_element_type3A_289, %cond3A_290 : i32
        scf.if %cond3A_291 {
          %dma_wait3A_328 = arith.constant 0 : i32
          %dma_wait3A_329 = arith.constant 0 : i32
          %dma_wait3A_330 = tpu.memref_slice %arg29[%dma_wait3A_328, %dma_wait3A_329] : memref<10112x16xf32, #tpu.memory_space<vmem_shared>> -> memref<10112x16xf32, #tpu.memory_space<vmem_shared>>
          tpu.wait_indirect_dma semaphore(%arg40 : memref<!tpu.dma_semaphore, #tpu.memory_space<semaphore_mem>>) src(%arg25 : memref<80x16xf32, #tpu.memory_space<vmem>>) dst(%dma_wait3A_330 : memref<10112x16xf32, #tpu.memory_space<vmem_shared>>)
        } else {
        }
        %get3A = arith.constant 0 : index
        %get3A_292 = tpu.vector_load %arg14[%get3A] {strides = array<i32>} : memref<80xi32, #tpu.memory_space<vmem>>, vector<16xi32>,
        %get3A_293 = vector.shape_cast %get3A_292 : vector<16xi32> to vector<16xi32>
        %swap3A = arith.constant 0 : index
        %swap3A_294 = tpu.vector_load %arg18[%swap3A] {strides = array<i32>} : memref<80xi32, #tpu.memory_space<vmem>>, vector<16xi32>,
        %swap3A_295 = vector.shape_cast %swap3A_294 : vector<16xi32> to vector<16xi32>
        %swap3A_296 = vector.shape_cast %get3A_293 : vector<16xi32> to vector<16xi32>
        tpu.vector_store %arg18[%swap3A], %swap3A_296 {strides = array<i32>} : memref<80xi32, #tpu.memory_space<vmem>>, vector<16xi32>,
        %get3A_297 = arith.constant 16 : index
        %get3A_298 = tpu.vector_load %arg14[%get3A_297] {strides = array<i32>} : memref<80xi32, #tpu.memory_space<vmem>>, vector<16xi32>,
        %get3A_299 = vector.shape_cast %get3A_298 : vector<16xi32> to vector<16xi32>
        %swap3A_300 = arith.constant 16 : index
        %swap3A_301 = tpu.vector_load %arg18[%swap3A_300] {strides = array<i32>} : memref<80xi32, #tpu.memory_space<vmem>>, vector<16xi32>,
        %swap3A_302 = vector.shape_cast %swap3A_301 : vector<16xi32> to vector<16xi32>
        %swap3A_303 = vector.shape_cast %get3A_299 : vector<16xi32> to vector<16xi32>
        tpu.vector_store %arg18[%swap3A_300], %swap3A_303 {strides = array<i32>} : memref<80xi32, #tpu.memory_space<vmem>>, vector<16xi32>,
        %get3A_304 = arith.constant 32 : index
        %get3A_305 = tpu.vector_load %arg14[%get3A_304] {strides = array<i32>} : memref<80xi32, #tpu.memory_space<vmem>>, vector<16xi32>,
        %get3A_306 = vector.shape_cast %get3A_305 : vector<16xi32> to vector<16xi32>
        %swap3A_307 = arith.constant 32 : index
        %swap3A_308 = tpu.vector_load %arg18[%swap3A_307] {strides = array<i32>} : memref<80xi32, #tpu.memory_space<vmem>>, vector<16xi32>,
        %swap3A_309 = vector.shape_cast %swap3A_308 : vector<16xi32> to vector<16xi32>
        %swap3A_310 = vector.shape_cast %get3A_306 : vector<16xi32> to vector<16xi32>
        tpu.vector_store %arg18[%swap3A_307], %swap3A_310 {strides = array<i32>} : memref<80xi32, #tpu.memory_space<vmem>>, vector<16xi32>,
        %get3A_311 = arith.constant 48 : index
        %get3A_312 = tpu.vector_load %arg14[%get3A_311] {strides = array<i32>} : memref<80xi32, #tpu.memory_space<vmem>>, vector<16xi32>,
        %get3A_313 = vector.shape_cast %get3A_312 : vector<16xi32> to vector<16xi32>
        %swap3A_314 = arith.constant 48 : index
        %swap3A_315 = tpu.vector_load %arg18[%swap3A_314] {strides = array<i32>} : memref<80xi32, #tpu.memory_space<vmem>>, vector<16xi32>,
        %swap3A_316 = vector.shape_cast %swap3A_315 : vector<16xi32> to vector<16xi32>
        %swap3A_317 = vector.shape_cast %get3A_313 : vector<16xi32> to vector<16xi32>
        tpu.vector_store %arg18[%swap3A_314], %swap3A_317 {strides = array<i32>} : memref<80xi32, #tpu.memory_space<vmem>>, vector<16xi32>,
        %get3A_318 = arith.constant 64 : index
        %get3A_319 = tpu.vector_load %arg14[%get3A_318] {strides = array<i32>} : memref<80xi32, #tpu.memory_space<vmem>>, vector<16xi32>,
        %get3A_320 = vector.shape_cast %get3A_319 : vector<16xi32> to vector<16xi32>
        %swap3A_321 = arith.constant 64 : index
        %swap3A_322 = tpu.vector_load %arg18[%swap3A_321] {strides = array<i32>} : memref<80xi32, #tpu.memory_space<vmem>>, vector<16xi32>,
        %swap3A_323 = vector.shape_cast %swap3A_322 : vector<16xi32> to vector<16xi32>
        %swap3A_324 = vector.shape_cast %get3A_320 : vector<16xi32> to vector<16xi32>
        tpu.vector_store %arg18[%swap3A_321], %swap3A_324 {strides = array<i32>} : memref<80xi32, #tpu.memory_space<vmem>>, vector<16xi32>,
        %dma_start3A_325 = arith.constant 0 : i32
        %dma_start3A_326 = arith.constant 0 : i32
        %dma_start3A_327 = tpu.memref_slice %arg29[%dma_start3A_325, %dma_start3A_326] : memref<10112x16xf32, #tpu.memory_space<vmem_shared>> -> memref<10112x16xf32, #tpu.memory_space<vmem_shared>>
        tpu.enqueue_indirect_dma source(%arg25 : memref<80x16xf32, #tpu.memory_space<vmem>>) target(%dma_start3A_327 : memref<10112x16xf32, #tpu.memory_space<vmem_shared>>) offsets(%arg18 : memref<80xi32, #tpu.memory_space<vmem>>) semaphore(%arg40 : memref<!tpu.dma_semaphore, #tpu.memory_space<semaphore_mem>>) {add = true}
      } else {
      }
    }
    %scan3A_75 = arith.constant 63 : i32
    %dma_wait3A_76 = arith.constant 0 : i32
    %dma_wait3A_77 = arith.constant 0 : i32
    %dma_wait3A_78 = tpu.memref_slice %arg28[%dma_wait3A_76, %dma_wait3A_77] : memref<10112x64xf32, #tpu.memory_space<vmem_shared>> -> memref<10112x64xf32, #tpu.memory_space<vmem_shared>>
    tpu.wait_indirect_dma semaphore(%arg37 : memref<!tpu.dma_semaphore, #tpu.memory_space<semaphore_mem>>) src(%arg23 : memref<80x64xf32, #tpu.memory_space<vmem>>) dst(%dma_wait3A_78 : memref<10112x64xf32, #tpu.memory_space<vmem_shared>>)
    %dma_wait3A_79 = arith.constant 0 : i32
    %dma_wait3A_80 = arith.constant 0 : i32
    %dma_wait3A_81 = tpu.memref_slice %arg28[%dma_wait3A_79, %dma_wait3A_80] : memref<10112x64xf32, #tpu.memory_space<vmem_shared>> -> memref<10112x64xf32, #tpu.memory_space<vmem_shared>>
    tpu.wait_indirect_dma semaphore(%arg38 : memref<!tpu.dma_semaphore, #tpu.memory_space<semaphore_mem>>) src(%arg24 : memref<80x64xf32, #tpu.memory_space<vmem>>) dst(%dma_wait3A_81 : memref<10112x64xf32, #tpu.memory_space<vmem_shared>>)
    %dma_wait3A_82 = arith.constant 0 : i32
    %dma_wait3A_83 = arith.constant 0 : i32
    %dma_wait3A_84 = tpu.memref_slice %arg28[%dma_wait3A_82, %dma_wait3A_83] : memref<10112x64xf32, #tpu.memory_space<vmem_shared>> -> memref<10112x64xf32, #tpu.memory_space<vmem_shared>>
    tpu.wait_indirect_dma semaphore(%arg35 : memref<!tpu.dma_semaphore, #tpu.memory_space<semaphore_mem>>) src(%arg21 : memref<80x64xf32, #tpu.memory_space<vmem>>) dst(%dma_wait3A_84 : memref<10112x64xf32, #tpu.memory_space<vmem_shared>>)
    %dma_wait3A_85 = arith.constant 0 : i32
    %dma_wait3A_86 = arith.constant 0 : i32
    %dma_wait3A_87 = tpu.memref_slice %arg28[%dma_wait3A_85, %dma_wait3A_86] : memref<10112x64xf32, #tpu.memory_space<vmem_shared>> -> memref<10112x64xf32, #tpu.memory_space<vmem_shared>>
    tpu.wait_indirect_dma semaphore(%arg36 : memref<!tpu.dma_semaphore, #tpu.memory_space<semaphore_mem>>) src(%arg22 : memref<80x64xf32, #tpu.memory_space<vmem>>) dst(%dma_wait3A_87 : memref<10112x64xf32, #tpu.memory_space<vmem_shared>>)
    %dma_wait3A_88 = arith.constant 0 : i32
    %dma_wait3A_89 = arith.constant 0 : i32
    %dma_wait3A_90 = tpu.memref_slice %arg29[%dma_wait3A_88, %dma_wait3A_89] : memref<10112x16xf32, #tpu.memory_space<vmem_shared>> -> memref<10112x16xf32, #tpu.memory_space<vmem_shared>>
    tpu.wait_indirect_dma semaphore(%arg39 : memref<!tpu.dma_semaphore, #tpu.memory_space<semaphore_mem>>) src(%arg25 : memref<80x16xf32, #tpu.memory_space<vmem>>) dst(%dma_wait3A_90 : memref<10112x16xf32, #tpu.memory_space<vmem_shared>>)
    %dma_wait3A_91 = arith.constant 0 : i32
    %dma_wait3A_92 = arith.constant 0 : i32
    %dma_wait3A_93 = tpu.memref_slice %arg29[%dma_wait3A_91, %dma_wait3A_92] : memref<10112x16xf32, #tpu.memory_space<vmem_shared>> -> memref<10112x16xf32, #tpu.memory_space<vmem_shared>>
    tpu.wait_indirect_dma semaphore(%arg40 : memref<!tpu.dma_semaphore, #tpu.memory_space<semaphore_mem>>) src(%arg25 : memref<80x16xf32, #tpu.memory_space<vmem>>) dst(%dma_wait3A_93 : memref<10112x16xf32, #tpu.memory_space<vmem_shared>>)
    %dma_wait3A_94 = arith.constant 0 : i32
    %dma_wait3A_95 = arith.constant 0 : i32
    %dma_wait3A_96 = tpu.memref_slice %arg29[%dma_wait3A_94, %dma_wait3A_95] : memref<10112x16xf32, #tpu.memory_space<vmem_shared>> -> memref<10112x16xf32, #tpu.memory_space<vmem_shared>>
    tpu.wait_indirect_dma semaphore(%arg41 : memref<!tpu.dma_semaphore, #tpu.memory_space<semaphore_mem>>) src(%arg25 : memref<80x16xf32, #tpu.memory_space<vmem>>) dst(%dma_wait3A_96 : memref<10112x16xf32, #tpu.memory_space<vmem_shared>>)
    %dma_wait3A_97 = arith.constant 0 : i32
    %dma_wait3A_98 = arith.constant 0 : i32
    %dma_wait3A_99 = tpu.memref_slice %arg29[%dma_wait3A_97, %dma_wait3A_98] : memref<10112x16xf32, #tpu.memory_space<vmem_shared>> -> memref<10112x16xf32, #tpu.memory_space<vmem_shared>>
    tpu.wait_indirect_dma semaphore(%arg42 : memref<!tpu.dma_semaphore, #tpu.memory_space<semaphore_mem>>) src(%arg25 : memref<80x16xf32, #tpu.memory_space<vmem>>) dst(%dma_wait3A_99 : memref<10112x16xf32, #tpu.memory_space<vmem_shared>>)
    %barrier3A_100 = arith.constant 0 : index
    tpu.barrier barrier_id(%barrier3A_100)
    %mul3A_101 = arith.constant 632 : i32
    %mul3A_102 = arith.muli %arg1, %mul3A_101 : i32
    %mul3A_103 = arith.constant 632 : i32
    %mul3A_104 = arith.muli %arg1, %mul3A_103 : i32
    "tpu.region"() ({
      %run_scoped3A = tpu.sem_alloc : memref<!tpu.dma_semaphore, #tpu.memory_space<semaphore_mem>>
      %dma_start3A_109 = arith.constant 0 : i32
      %dma_start3A_110 = tpu.memref_slice %arg5[%arg0, %mul3A_104, %dma_start3A_109] : memref<2x10112x64xf32, #tpu.memory_space<hbm>> -> memref<1x632x64xf32, #tpu.memory_space<hbm>>
      %dma_start3A_111 = tpu.memref_squeeze %dma_start3A_110 : memref<1x632x64xf32, #tpu.memory_space<hbm>> -> memref<632x64xf32, #tpu.memory_space<hbm>>
      %dma_start3A_112 = arith.constant 0 : i32
      %dma_start3A_113 = tpu.memref_slice %arg28[%mul3A_102, %dma_start3A_112] : memref<10112x64xf32, #tpu.memory_space<vmem_shared>> -> memref<632x64xf32, #tpu.memory_space<vmem_shared>>
      tpu.enqueue_dma source(%dma_start3A_113 : memref<632x64xf32, #tpu.memory_space<vmem_shared>>) target(%dma_start3A_111 : memref<632x64xf32, #tpu.memory_space<hbm>>) target_semaphore(%run_scoped3A : memref<!tpu.dma_semaphore, #tpu.memory_space<semaphore_mem>>)
      %dma_wait3A_114 = arith.constant 0 : i32
      %dma_wait3A_115 = tpu.memref_slice %arg5[%arg0, %mul3A_104, %dma_wait3A_114] : memref<2x10112x64xf32, #tpu.memory_space<hbm>> -> memref<1x632x64xf32, #tpu.memory_space<hbm>>
      %dma_wait3A_116 = tpu.memref_squeeze %dma_wait3A_115 : memref<1x632x64xf32, #tpu.memory_space<hbm>> -> memref<632x64xf32, #tpu.memory_space<hbm>>
      %dma_wait3A_117 = arith.constant 0 : i32
      %dma_wait3A_118 = tpu.memref_slice %arg28[%mul3A_102, %dma_wait3A_117] : memref<10112x64xf32, #tpu.memory_space<vmem_shared>> -> memref<632x64xf32, #tpu.memory_space<vmem_shared>>
      tpu.wait_dma2 semaphore(%run_scoped3A : memref<!tpu.dma_semaphore, #tpu.memory_space<semaphore_mem>>) src(%dma_wait3A_118 : memref<632x64xf32, #tpu.memory_space<vmem_shared>>) dst(%dma_wait3A_116 : memref<632x64xf32, #tpu.memory_space<hbm>>)
      tpu.yield
    }) : () -> ()
    %mul3A_105 = arith.constant 632 : i32
    %mul3A_106 = arith.muli %arg1, %mul3A_105 : i32
    %mul3A_107 = arith.constant 632 : i32
    %mul3A_108 = arith.muli %arg1, %mul3A_107 : i32
    "tpu.region"() ({
      %run_scoped3A = tpu.sem_alloc : memref<!tpu.dma_semaphore, #tpu.memory_space<semaphore_mem>>
      %dma_start3A_109 = arith.constant 0 : i32
      %dma_start3A_110 = tpu.memref_slice %arg6[%arg0, %mul3A_108, %dma_start3A_109] : memref<2x10112x16xf32, #tpu.memory_space<hbm>> -> memref<1x632x16xf32, #tpu.memory_space<hbm>>
      %dma_start3A_111 = tpu.memref_squeeze %dma_start3A_110 : memref<1x632x16xf32, #tpu.memory_space<hbm>> -> memref<632x16xf32, #tpu.memory_space<hbm>>
      %dma_start3A_112 = arith.constant 0 : i32
      %dma_start3A_113 = tpu.memref_slice %arg29[%mul3A_106, %dma_start3A_112] : memref<10112x16xf32, #tpu.memory_space<vmem_shared>> -> memref<632x16xf32, #tpu.memory_space<vmem_shared>>
      tpu.enqueue_dma source(%dma_start3A_113 : memref<632x16xf32, #tpu.memory_space<vmem_shared>>) target(%dma_start3A_111 : memref<632x16xf32, #tpu.memory_space<hbm>>) target_semaphore(%run_scoped3A : memref<!tpu.dma_semaphore, #tpu.memory_space<semaphore_mem>>)
      %dma_wait3A_114 = arith.constant 0 : i32
      %dma_wait3A_115 = tpu.memref_slice %arg6[%arg0, %mul3A_108, %dma_wait3A_114] : memref<2x10112x16xf32, #tpu.memory_space<hbm>> -> memref<1x632x16xf32, #tpu.memory_space<hbm>>
      %dma_wait3A_116 = tpu.memref_squeeze %dma_wait3A_115 : memref<1x632x16xf32, #tpu.memory_space<hbm>> -> memref<632x16xf32, #tpu.memory_space<hbm>>
      %dma_wait3A_117 = arith.constant 0 : i32
      %dma_wait3A_118 = tpu.memref_slice %arg29[%mul3A_106, %dma_wait3A_117] : memref<10112x16xf32, #tpu.memory_space<vmem_shared>> -> memref<632x16xf32, #tpu.memory_space<vmem_shared>>
      tpu.wait_dma2 semaphore(%run_scoped3A : memref<!tpu.dma_semaphore, #tpu.memory_space<semaphore_mem>>) src(%dma_wait3A_118 : memref<632x16xf32, #tpu.memory_space<vmem_shared>>) dst(%dma_wait3A_116 : memref<632x16xf32, #tpu.memory_space<hbm>>)
      tpu.yield
    }) : () -> ()
    return
  }
}

module attributes {stable_mosaic.version = 14 : i64} {
  func.func @body(%arg0: i32, %arg1: memref<2000x128xf32, #tpu.memory_space<vmem>>, %arg2: memref<2x2000x64xf32, #tpu.memory_space<vmem>>, %arg3: memref<2x2000x16xf32, #tpu.memory_space<vmem>>, %arg4: memref<128x128xf32, #tpu.memory_space<vmem>>, %arg5: memref<128x128xf32, #tpu.memory_space<vmem>>, %arg6: memref<1x128xf32, #tpu.memory_space<vmem>>, %arg7: memref<2000x128xf32, #tpu.memory_space<vmem>>) attributes {dimension_semantics = [#tpu.dimension_semantics<arbitrary>], iteration_bounds = array<i64: 5>, scalar_prefetch = 0 : i64, scratch_operands = 0 : i64, tpu.core_type = #tpu.core_type<tc>, window_params = [{transform_indices = @transform_0, window_bounds = array<i64: 2000, 128>}, {transform_indices = @transform_1, window_bounds = array<i64: 2, 2000, 64>}, {transform_indices = @transform_2, window_bounds = array<i64: 2, 2000, 16>}, {pipeline_mode = #tpu.pipeline_mode<synchronous>, transform_indices = @transform_3, window_bounds = array<i64: 128, 128>}, {pipeline_mode = #tpu.pipeline_mode<synchronous>, transform_indices = @transform_4, window_bounds = array<i64: 128, 128>}, {pipeline_mode = #tpu.pipeline_mode<synchronous>, transform_indices = @transform_5, window_bounds = array<i64: 1, 128>}, {transform_indices = @transform_6, window_bounds = array<i64: 2000, 128>}]} {
    %get3A = arith.constant 0 : index
    %get3A_0 = arith.constant 0 : index
    %get3A_1 = arith.constant 0 : index
    %get3A_2 = vector.load %arg3[%get3A, %get3A_0, %get3A_1] : memref<2x2000x16xf32, #tpu.memory_space<vmem>>, vector<1x2000x16xf32>
    %get3A_3 = vector.shape_cast %get3A_2 : vector<1x2000x16xf32> to vector<2000x16xf32>
    %slice3A = vector.extract_strided_slice %get3A_3 {offsets = [0, 0], sizes = [2000, 1], strides = [1, 1]} : vector<2000x16xf32> to vector<2000x1xf32>
    %get3A_4 = arith.constant 1 : index
    %get3A_5 = arith.constant 0 : index
    %get3A_6 = arith.constant 0 : index
    %get3A_7 = vector.load %arg3[%get3A_4, %get3A_5, %get3A_6] : memref<2x2000x16xf32, #tpu.memory_space<vmem>>, vector<1x2000x16xf32>
    %get3A_8 = vector.shape_cast %get3A_7 : vector<1x2000x16xf32> to vector<2000x16xf32>
    %slice3A_9 = vector.extract_strided_slice %get3A_8 {offsets = [0, 0], sizes = [2000, 1], strides = [1, 1]} : vector<2000x16xf32> to vector<2000x1xf32>
    %add3A = arith.addf %slice3A, %slice3A_9 : vector<2000x1xf32>
    %get3A_10 = arith.constant 0 : index
    %get3A_11 = arith.constant 0 : index
    %get3A_12 = arith.constant 0 : index
    %get3A_13 = vector.load %arg2[%get3A_10, %get3A_11, %get3A_12] : memref<2x2000x64xf32, #tpu.memory_space<vmem>>, vector<1x2000x64xf32>
    %get3A_14 = vector.shape_cast %get3A_13 : vector<1x2000x64xf32> to vector<2000x64xf32>
    %get3A_15 = arith.constant 1 : index
    %get3A_16 = arith.constant 0 : index
    %get3A_17 = arith.constant 0 : index
    %get3A_18 = vector.load %arg2[%get3A_15, %get3A_16, %get3A_17] : memref<2x2000x64xf32, #tpu.memory_space<vmem>>, vector<1x2000x64xf32>
    %get3A_19 = vector.shape_cast %get3A_18 : vector<1x2000x64xf32> to vector<2000x64xf32>
    %concatenate3A = tpu.concatenate %get3A_14, %get3A_19 in 1 : vector<2000x64xf32>, vector<2000x64xf32> -> vector<2000x128xf32>
    %max3A = arith.constant 1.000000e+00 : f32
    %max3A_20 = vector.broadcast %max3A : f32 to vector<2000x1xf32>
    %max3A_21 = arith.maximumf %add3A, %max3A_20 : vector<2000x1xf32>
    %div3A = arith.constant 1.000000e+00 : f32
    %div3A_22 = vector.broadcast %div3A : f32 to vector<2000x1xf32>
    %div3A_23 = arith.divf %div3A_22, %max3A_21 : vector<2000x1xf32>
    %mul3A = vector.broadcast %div3A_23 : vector<2000x1xf32> to vector<2000x128xf32>
    %mul3A_24 = arith.mulf %concatenate3A, %mul3A : vector<2000x128xf32>
    %get3A_25 = arith.constant 0 : index
    %get3A_26 = arith.constant 0 : index
    %get3A_27 = vector.load %arg1[%get3A_25, %get3A_26] : memref<2000x128xf32, #tpu.memory_space<vmem>>, vector<2000x128xf32>
    %get3A_28 = arith.constant 0 : index
    %get3A_29 = arith.constant 0 : index
    %get3A_30 = vector.load %arg4[%get3A_28, %get3A_29] : memref<128x128xf32, #tpu.memory_space<vmem>>, vector<128x128xf32>
    %dot_general3A = arith.constant dense<0.000000e+00> : vector<2000x128xf32>
    %dot_general3A_31 = tpu.matmul %get3A_27, %get3A_30, %dot_general3A {dimension_numbers = #tpu.dot_dimension_numbers<[1], [1], [0], [0], [0, 0, 1, 0], [], []>, transpose_lhs_hint = false} : vector<2000x128xf32>, vector<128x128xf32>, vector<2000x128xf32> -> vector<2000x128xf32>
    %get3A_32 = arith.constant 0 : index
    %get3A_33 = arith.constant 0 : index
    %get3A_34 = vector.load %arg5[%get3A_32, %get3A_33] : memref<128x128xf32, #tpu.memory_space<vmem>>, vector<128x128xf32>
    %dot_general3A_35 = arith.constant dense<0.000000e+00> : vector<2000x128xf32>
    %dot_general3A_36 = tpu.matmul %mul3A_24, %get3A_34, %dot_general3A_35 {dimension_numbers = #tpu.dot_dimension_numbers<[1], [1], [0], [0], [0, 0, 1, 0], [], []>, transpose_lhs_hint = false} : vector<2000x128xf32>, vector<128x128xf32>, vector<2000x128xf32> -> vector<2000x128xf32>
    %add3A_37 = arith.addf %dot_general3A_31, %dot_general3A_36 : vector<2000x128xf32>
    %get3A_38 = arith.constant 0 : index
    %get3A_39 = arith.constant 0 : index
    %get3A_40 = vector.load %arg6[%get3A_38, %get3A_39] : memref<1x128xf32, #tpu.memory_space<vmem>>, vector<1x128xf32>
    %add3A_41 = vector.broadcast %get3A_40 : vector<1x128xf32> to vector<2000x128xf32>
    %add3A_42 = arith.addf %add3A_37, %add3A_41 : vector<2000x128xf32>
    %swap3A = arith.constant 0 : index
    %swap3A_43 = arith.constant 0 : index
    %swap3A_44 = vector.load %arg7[%swap3A, %swap3A_43] : memref<2000x128xf32, #tpu.memory_space<vmem>>, vector<2000x128xf32>
    tpu.vector_store %arg7[%swap3A, %swap3A_43], %add3A_42 {strides = array<i32>} : memref<2000x128xf32, #tpu.memory_space<vmem>>, vector<2000x128xf32>,
    return
  }
  func.func @transform_0(%arg0: i32) -> (i32, i32) {
    %c0_i32 = arith.constant 0 : i32
    %c0_i32_0 = arith.constant 0 : i32
    return %arg0, %c0_i32 : i32, i32
  }
  func.func @transform_1(%arg0: i32) -> (i32, i32, i32) {
    %c0_i32 = arith.constant 0 : i32
    %c0_i32_0 = arith.constant 0 : i32
    %c0_i32_1 = arith.constant 0 : i32
    return %c0_i32, %arg0, %c0_i32_0 : i32, i32, i32
  }
  func.func @transform_2(%arg0: i32) -> (i32, i32, i32) {
    %c0_i32 = arith.constant 0 : i32
    %c0_i32_0 = arith.constant 0 : i32
    %c0_i32_1 = arith.constant 0 : i32
    return %c0_i32, %arg0, %c0_i32_0 : i32, i32, i32
  }
  func.func @transform_3(%arg0: i32) -> (i32, i32) {
    %c0_i32 = arith.constant 0 : i32
    %c0_i32_0 = arith.constant 0 : i32
    %c0_i32_1 = arith.constant 0 : i32
    return %c0_i32, %c0_i32_0 : i32, i32
  }
  func.func @transform_4(%arg0: i32) -> (i32, i32) {
    %c0_i32 = arith.constant 0 : i32
    %c0_i32_0 = arith.constant 0 : i32
    %c0_i32_1 = arith.constant 0 : i32
    return %c0_i32, %c0_i32_0 : i32, i32
  }
  func.func @transform_5(%arg0: i32) -> (i32, i32) {
    %c0_i32 = arith.constant 0 : i32
    %c0_i32_0 = arith.constant 0 : i32
    %c0_i32_1 = arith.constant 0 : i32
    return %c0_i32, %c0_i32_0 : i32, i32
  }
  func.func @transform_6(%arg0: i32) -> (i32, i32) {
    %c0_i32 = arith.constant 0 : i32
    %c0_i32_0 = arith.constant 0 : i32
    return %arg0, %c0_i32 : i32, i32
  }
}

</mosaic_0001>

<sc_bundles>
// kernel: kernel.4.cloned.1.call-start
scs
__scs_entry_jumppad:
0x0: {  	(pc) =	sbr.rel $0x88, $3  }
0x1: {  	(tag) =	ssettag $0x0;
	lr =	simm.s32 $0x1  }
0x2: {  	[smem:$0x3F9C] =	sst lr;
	_ =	strace $0xD0000000  }
0x3: {  	_ = 	snop  }
0x4: {  	_ = 	snop  }
0x5: {  	_ = 	snop  }
0x6: {  	_ = 	snop  }
0x7: {  	_ = 	snop  }
__scs_overlays_trampoline_lowered:
0x8: {  	[smem:$0x3FAB] =	sst s0  }
0x9: {  	[smem:$0x3FAC] =	sst s1  }
0xa: {  	[smem:$0x3FAD] =	sst s2  }
0xb: {  	[smem:$0x3FAE] =	sst s3  }
0xc: {  	[smem:$0x3FAF] =	sst s4  }
0xd: {  	[smem:$0x3FB0] =	sst s5  }
0xe: {  	[smem:$0x3FB1] =	sst s6  }
0xf: {  	[smem:$0x3FB2] =	sst s7  }
0x10: {  	[smem:$0x3FB3] =	sst s8  }
0x11: {  	[smem:$0x3FB4] =	sst s9;
	s0 =	simm.s32 @!p0 $0x0  }
0x12: {  	s1 =	sld [smem:$0x3F9A];
	s0 =	simm.s32 @p0 $0x1  }
0x13: {  	[smem:$0x3FB5] =	sst s0;
	s0 =	simm.s32 @!p1 $0x0  }
0x14: {  	s2 =	sld [smem:$0x3F99];
	s0 =	simm.s32 @p1 $0x1  }
0x15: {  	[smem:$0x3FB6] =	sst s0;
	s0 =	simm.s32 @!p2 $0x0  }
0x16: {  	s3 =	sld [smem:$0x3FDB];
	s0 =	simm.s32 @p2 $0x1  }
0x17: {  	s4 =	simm.s32 $0x1BF5;
	[smem:$0x3FB8] =	sst s0  }
0x18: {  	s0 =	sld [smem:$0x3F9B];
	_ =	swait.ge [sflag:s4], $0x0  }
0x19: {  	s7 =	sld [smem:$0x3F9C]  }
0x1a: {  	s8 =	sadd.s32 $0xFFFFE003, lr  }
0x1b: {  	s9 =	sadd.s32 $0xFFFFFEF7, lr;
	s5 =	simm.s32 $0xFFFFFFFF;
	p2 =	slt.u32 s8, $0xFFFFF086  }
0x1c: {  	p1 =	slt.u32 s9, $0xF7A;
	s5 =	simm.s32 @!p2 $0x0  }
0x1d: {  	s5 =	simm.s32 @p1 $0x1;
	p0 =	seq.s32 s7, s2  }
0x1e: {  	s7 =	smul.u32 @!p0 $0xF7A, s2;
	p2 =	seq.s32 @!p0 s5, $0x0  }
0x1f: {  	s9 =	smul.u32 $0xF7A, s1;
	s8 =	simm.s32 @!p0 $0x1BF5;
	p2 =	por !p2, p0  }
0x20: {  	[sflag:s8] =	ssyncset.s32 @!p0 $0xFFFFF086;
	s6 =	sadd.s32 @!p0 s3, s7;
	s7 =	simm.s32 @!p0 $0x108  }
0x21: {  	s3 =	sadd.s32 s3, s9;
	s6 =	sadd.s32 @!p0 $0x88, s6;
	s7 =	simm.s32 @p2 $0x1082  }
0x22: {  	[simem:s7], [sflag:s8] =	dma.local @!p0 [hbm:s6], $0xF7A  }
0x23: {  	s9 =	sor.u32 $0xD0000000, s2;
	s6 =	simm.s32 $0x108;
	_ =	swait.ge @!p0 [sflag:s8], $0x0  }
0x24: {  	s3 =	sadd.s32 $0x88, s3;
	s6 =	simm.s32 @!p1 $0x1082;
	[sflag:s4] =	ssyncset.s32 $0xFFFFF086  }
0x25: {  	[simem:s6], [sflag:s4] =	dma.local [hbm:s3], $0xF7A  }
0x26: {  	[smem:$0x3F9C] =	sst s1;
	(tag) =	ssettag s2;
	_ =	strace s9  }
0x27: {  	s1 =	sld [smem:$0x3FAC]  }
0x28: {  	s2 =	sld [smem:$0x3FAD]  }
0x29: {  	s4 =	sld [smem:$0x3FAF]  }
0x2a: {  	p0 =	seq.s32 s5, $0x0;
	s5 =	sld [smem:$0x3FB0]  }
0x2b: {  	s6 =	sld [smem:$0x3FB1]  }
0x2c: {  	s7 =	sld [smem:$0x3FB2]  }
0x2d: {  	s3 =	simm.s32 $0x108;
	s8 =	sld [smem:$0x3FB3]  }
0x2e: {  	s3 =	simm.s32 @!p0 $0x1082;
	s9 =	sld [smem:$0x3FB4]  }
0x2f: {  	lr =	sadd.s32 s0, s3;
	s0 =	sld [smem:$0x3FAB]  }
0x30: {  	s3 =	sld [smem:$0x3FAE]  }
0x31: {  	[smem:$0x3FB7] =	sst s10  }
0x32: {  	s10 =	sld [smem:$0x3FB5];
	_ =	sdelay $0x3  }
0x33: {  	p0 =	seq.s32 s10, $0x1;
	s10 =	sld [smem:$0x3FB7];
	_ =	sdelay $0x3  }
0x34: {  	[smem:$0x3FB7] =	sst s10  }
0x35: {  	s10 =	sld [smem:$0x3FB6];
	_ =	sdelay $0x3  }
0x36: {  	p1 =	seq.s32 s10, $0x1;
	s10 =	sld [smem:$0x3FB7];
	_ =	sdelay $0x3  }
0x37: {  	[smem:$0x3FB7] =	sst s10  }
0x38: {  	s10 =	sld [smem:$0x3FB8]  }
0x39: {  	_ = 	snop;
	(pc) =	sbr.ind lr, $3  }
0x3a: {  	_ = 	snop  }
0x3b: {  	_ = 	snop  }
0x3c: {  	p2 =	seq.s32 s10, $0x1;
	s10 =	sld [smem:$0x3FB7]  }
0x3d: {  	_ =	shalt  }
0x3e: {  	_ =	shalt  }
0x3f: {  	_ =	shalt  }
0x40: {  	_ =	shalt  }
0x41: {  	_ =	shalt  }
0x42: {  	_ =	shalt  }
0x43: {  	_ =	shalt  }
0x44: {  	_ =	shalt  }
0x45: {  	_ =	shalt  }
0x46: {  	_ =	shalt  }
0x47: {  	_ =	shalt  }
0x48: {  	_ =	shalt  }
0x49: {  	_ =	shalt  }
0x4a: {  	_ =	shalt  }
0x4b: {  	_ =	shalt  }
0x4c: {  	_ =	shalt  }
0x4d: {  	_ =	shalt  }
0x4e: {  	_ =	shalt  }
0x4f: {  	_ =	shalt  }
0x50: {  	_ =	shalt  }
0x51: {  	_ =	shalt  }
0x52: {  	_ =	shalt  }
0x53: {  	_ =	shalt  }
0x54: {  	_ =	shalt  }
0x55: {  	_ =	shalt  }
0x56: {  	_ =	shalt  }
0x57: {  	_ =	shalt  }
0x58: {  	_ =	shalt  }
0x59: {  	_ =	shalt  }
0x5a: {  	_ =	shalt  }
0x5b: {  	_ =	shalt  }
0x5c: {  	_ =	shalt  }
0x5d: {  	_ =	shalt  }
0x5e: {  	_ =	shalt  }
0x5f: {  	_ =	shalt  }
0x60: {  	_ =	shalt  }
0x61: {  	_ =	shalt  }
0x62: {  	_ =	shalt  }
0x63: {  	_ =	shalt  }
0x64: {  	_ =	shalt  }
0x65: {  	_ =	shalt  }
0x66: {  	_ =	shalt  }
0x67: {  	_ =	shalt  }
0x68: {  	_ =	shalt  }
0x69: {  	_ =	shalt  }
0x6a: {  	_ =	shalt  }
0x6b: {  	_ =	shalt  }
0x6c: {  	_ =	shalt  }
0x6d: {  	_ =	shalt  }
0x6e: {  	_ =	shalt  }
0x6f: {  	_ =	shalt  }
0x70: {  	_ =	shalt  }
0x71: {  	_ =	shalt  }
0x72: {  	_ =	shalt  }
0x73: {  	_ =	shalt  }
0x74: {  	_ =	shalt  }
0x75: {  	_ =	shalt  }
0x76: {  	_ =	shalt  }
0x77: {  	_ =	shalt  }
0x78: {  	_ =	shalt  }
0x79: {  	_ =	shalt  }
0x7a: {  	_ =	shalt  }
0x7b: {  	_ =	shalt  }
0x7c: {  	_ =	shalt  }
0x7d: {  	_ =	shalt  }
0x7e: {  	_ =	shalt  }
0x7f: {  	_ =	shalt  }
0x80: {  	_ =	shalt  }
0x81: {  	_ =	shalt  }
0x82: {  	_ =	shalt  }
0x83: {  	_ =	shalt  }
0x84: {  	_ =	shalt  }
0x85: {  	_ =	shalt  }
0x86: {  	_ =	shalt  }
0x87: {  	_ =	shalt  }
.Lfunc_end0:
.L_simem_size_0:
called_computation_lowered:
.L_overlay_start_0:
0x88: {  	s2 =	sld [smem:$0x3FD9]  }
0x89: {  	s3 =	sld [smem:$0x3FFE];
	_ =	sdelay $0x1  }
0x8a: {  	s1 =	srdreg.scid  }
0x8b: {  	s0 =	sand.u32 $0x1, s1  }
0x8c: {  	s17 =	sshll.u32 s0, $0xA;
	s2 =	sadd.s32 s3, s2  }
0x8d: {  	s2 =	sadd.s32 s2, s17  }
0x8e: {  	[smem:$0x3FC3] =	sst s2  }
0x8f: {  	_ = 	snop  }
0x90: {  	s2 =	sld [smem:$0x3FC9]  }
0x91: {  	s18 =	sld [smem:$0x3FD0];
	(tm) =	ssettm $0x1  }
0x92: {  	s4 =	sld [smem:$0x3FFB];
	_ =	sdelay $0x3  }
0x93: {  	_ =	strace s4  }
0x94: {  	s4 =	sld [smem:$0x3FFC];
	_ =	sdelay $0x3  }
0x95: {  	_ =	strace s4  }
0x96: {  	s4 =	sld [smem:$0x3FFD];
	_ =	sdelay $0x3  }
0x97: {  	_ =	strace s4  }
0x98: {  	_ =	strace $0x8FFFFFFF  }
0x99: {  	s19 =	sld [smem:$0x3FDB];
	_ =	sdelay $0x1  }
0x9a: {  	s5 =	simm.s32 $_scs_section_size  }
0x9b: {  	s6 =	simm.s32 $_size__tile_overlayer_lowered;
	s7 =	simm.s32 $_tile_overlayer_lowered  }
0x9c: {  	s22 =	simm.s32 $0x1BFF;
	s21 =	sshll.u32 s7, $0x1;
	s4 =	sadd.s32 s5, s19  }
0x9d: {  	s8 =	simm.s32 $0x0;
	s20 =	sshll.u32 s6, $0x1;
	s6 =	sadd.s32 s21, s4  }
0x9e: {  	[timem:s8], [sflag:s22] =	dma.local [hbm:s6], s20  }
0x9f: {  	_ =	swait.ge [sflag:s22], s20  }
0xa0: {  	s5 =	ssub.s32 $0x0, s20;
	[sflag:s22] =	ssyncset.done $0x0  }
0xa1: {  	[sflag:s22] =	ssyncadd.s32 s5;
	_ =	sdelay $0x1  }
0xa2: {  	s23 =	simm.s32 $0x1B8B  }
0xa3: {  	_ =	swait.ge [sflag:s23], $0x1  }
0xa4: {  	[sflag:s23] =	ssyncset.done $0x0  }
0xa5: {  	s25 =	simm.s32 $0x1B8E;
	s24 =	sld [smem:$0x3FFE];
	[sflag:s23] =	ssyncadd.s32 $0xFFFFFFFF  }
0xa6: {  	s26 =	simm.s32 $execute0_lowered;
	[smem:$0x3FD2] =	sst s25  }
0xa7: {  	s6 =	sshll.u32 s26, $0x1;
	_ =	strace $0x80000046;
	[dreg:$0x1] =	wrdreg $0xFFFFFFFF  }
0xa8: {  	s28 =	simm.s32 $_size_execute0_lowered;
	s4 =	sadd.s32 s4, s6;
	[dreg:$0x0] =	wrdreg $0x0  }
0xa9: {  	s6 =	sshll.u32 s28, $0x1;
	[dreg:$0x2] =	wrdreg s4  }
0xaa: {  	[dreg:$0x3] =	wrdreg s6  }
0xab: {  	[dreg:$0x4] =	wrdreg $0xC0  }
0xac: {  	_ =	task [dreg:s8], $0x5FFFF  }
0xad: {  	[dreg:$0x1] =	wrdreg $0xFFFFFFFF  }
0xae: {  	[dreg:$0x0] =	wrdreg $0x60  }
0xaf: {  	[dreg:$0x2] =	wrdreg s2  }
0xb0: {  	[dreg:$0x3] =	wrdreg s24  }
0xb1: {  	[dreg:$0x4] =	wrdreg s18  }
0xb2: {  	[dreg:$0x5] =	wrdreg $0x130400  }
0xb3: {  	[dreg:$0x6] =	wrdreg $0x1CE400  }
0xb4: {  	[dreg:$0x7] =	wrdreg $0x9  }
0xb5: {  	_ =	task.clear_ibuf [dreg:s8], $0x8FFFF;
	_ =	strace $0x90000046  }
0xb6: {  	s29 =	simm.s32 $0x9;
	_ =	strace $0x80000048  }
0xb7: {  	_ =	swait.ge [sflag:s29], $0x1  }
0xb8: {  	[sflag:s29] =	ssyncadd.s32 $0xFFFFFFFF  }
0xb9: {  	_ =	strace $0x90000048  }
0xba: {  	_ =	sfence  }
0xbb: {  	s30 =	sld [smem:$0x0];
	_ =	sdelay $0x2  }
0xbc: {  	s31 =	sshll.u32 s1, $0xD;
	s1 =	sshrl.u32 s1, $0x2  }
0xbd: {  	s3 =	sand.u32 $0x4000, s31;
	s1 =	sadd.s32 s1, s30  }
0xbe: {  	s0 =	sor.u32 s3, s0;
	s1 =	sshll.u32 s1, $0x11  }
0xbf: {  	s0 =	sor.u32 s1, s0  }
0xc0: {  	s0 =	sadd.s32 $0x8F2B, s0  }
0xc1: {  	[sflag:s0] =	ssyncadd.remote.s32 $0x1  }
0xc2: {  	_ =	sfence.sel $0xFFFF  }
0xc3: {  	[dreg:$0x0] =	wrdreg $0xFFFFFFFF;
	(pc) =	sbr.abs _section_cstart, $3  }
0xc4: {  	[dreg:$0x1] =	wrdreg $0xFFFFFFFF  }
0xc5: {  	_ =	task.clear_ibuf [dreg:s8], $0x2FFFF;
	_ =	strace $0x9FFFFFFF  }
0xc6: {  	(tm) =	ssettm $0x7FFFFFFF  }
0xc7: {  	_ =	shalt  }
tec
execute0_lowered:
.L_overlay_start_1:
0x0: {  	(tag) =	ssettag $0x1  }
0x1: {  	s1 =	rddreg [dreg:$0x0]  }
0x2: {  	s0 =	rddreg [dreg:$0x1]  }
0x3: {  	s2 =	rddreg [dreg:$0x2]  }
0x4: {  	s3 =	rddreg [dreg:$0x3]  }
0x5: {  	s4 =	rddreg [dreg:$0x4]  }
0x6: {  	s12 =	stileid.u32;
	s6 =	srdreg.scid  }
0x7: {  	s8 =	simm.s32 $0x0;
	s28 =	simm.s32 $0x9C40;
	s5 =	smul.u32 $0x9C4, s12  }
0x8: {  	s29 =	simm.s32 $0xA000;
	s30 =	simm.s32 $0x9C90;
	s7 =	smul.u32 $0x9E00, s12  }
0x9: {  	s6 =	sand.u32 $0x1, s6;
	[smem:$0x7FF] =	sst s8;
	s16 =	smul.u32 $0x2780, s12  }
0xa: {  	s31 =	simm.s32 $0xB400;
	s11 =	smul.u32 $0x9E000, s6;
	_ =	strace $0x80000047  }
0xb: {  	s9 =	ssub.s32 $0x2, s6;
	s17 =	smul.u32 $0x27800, s6;
	p0 =	seq.s32 s6, $0x0  }
0xc: {  	s5 =	sadd.s32 s5, s0;
	s10 =	sshrl.u32 s9, $0x1;
	s8 =	sadd.s32 s7, s11  }
0xd: {  	s11 =	smul.u32 $0x27800, s12;
	s13 =	ssub.s32 s9, s10;
	s14 =	sadd.s32 $0xAE00, s5  }
0xe: {  	s5 =	sadd.s32 $0x1000, s5;
	s9 =	sadd.s32 s7, s3;
	s7 =	sadd.s32 s16, s17  }
0xf: {  	s17 =	sadd.s32 s16, s4;
	s16 =	simm.s32 $0xD;
	[dreg:$0x6] =	wrdreg s14  }
0x10: {  	s8 =	sshrl.u32 s8, $0x3;
	[dreg:$0x7] =	wrdreg s5;
	s24 =	sshrl.u32 s7, $0x3  }
0x11: {  	s26 =	smax.u32 s13, $0x1;
	s7 =	simm.s32 $0x3;
	s0 =	sadd.s32 s8, s0  }
0x12: {  	s15 =	sshrl.u32 s11, $0x2;
	s25 =	sadd.s32 s2, s24;
	[dreg:$0x11] =	wrdreg s26  }
0x13: {  	s5 =	sadd.s32 s15, s3;
	s0 =	sadd.s32 $0x14C00, s0;
	[dreg:$0x10] =	wrdreg s25  }
0x14: {  	s26 =	simm.s32 $0x50;
	s18 =	sadd.s32 $0x13C0, s5;
	[dreg:$0xf] =	wrdreg s0  }
0x15: {  	s24 =	simm.s32 $0x9;
	s19 =	sadd.s32 $0x2780, s5;
	[dreg:$0x8] =	wrdreg s18  }
0x16: {  	s2 =	simm.s32 $0x9D30;
	s20 =	sadd.s32 $0x3B40, s5;
	[dreg:$0x9] =	wrdreg s19  }
0x17: {  	s8 =	simm.s32 $0x9DD0;
	s21 =	sadd.s32 $0x4F00, s5;
	[dreg:$0xa] =	wrdreg s20  }
0x18: {  	s25 =	simm.s32 $0x1;
	s22 =	sadd.s32 $0x62C0, s5;
	[dreg:$0xb] =	wrdreg s21  }
.Ltmp0:
0x19: {  	s23 =	sadd.s32 $0x7680, s5;
	[dreg:$0xc] =	wrdreg s22;
	(pc) =	sbr.rel .LBB2_1-.Ltmp0, $4  }
0x1a: {  	s5 =	sadd.s32 $0x8A40, s5;
	s0 =	simm.s32 @!p0 $0x0;
	[dreg:$0xd] =	wrdreg s23  }
0x1b: {  	[dreg:$0xe] =	wrdreg s5;
	s22 =	simm.s32 $0xF500;
	s23 =	simm.s32 $0xE  }
0x1c: {  	s0 =	simm.s32 @p0 $0x1;
	s21 =	simm.s32 $0x9D80;
	s5 =	simm.s32 $0xDC00  }
0x1d: {  	v1 =	vimm.f32 $0.0e+00;
	v2 =	vimm.f32 $1.000000000e+00;
	v0 =	vmov s6;
	s18 =	simm.s32 $0x0;
	[smem:$0x7FD] =	sst s0;
	s0 =	simm.s32 $0x2  }
.LBB2_13:
0x1e: {  	s10 =	simm.s32 $0x8  }
0x1f: {  	_ =	swait.ge [sflag:s10], $0x1400  }
0x20: {  	[sflag:s10] =	ssyncset.done $0x0  }
0x21: {  	[sflag:s10] =	ssyncadd.s32 $0xFFFFEC00  }
0x22: {  	_ =	swait.ge [sflag:s24], $0x1400  }
0x23: {  	[sflag:s24] =	ssyncset.done $0x0  }
0x24: {  	s19 =	simm.s32 $0x6;
	[sflag:s24] =	ssyncadd.s32 $0xFFFFEC00  }
0x25: {  	_ =	swait.ge [sflag:s19], $0x1400  }
0x26: {  	[sflag:s19] =	ssyncset.done $0x0  }
0x27: {  	s20 =	simm.s32 $0x7;
	[sflag:s19] =	ssyncadd.s32 $0xFFFFEC00  }
0x28: {  	_ =	swait.ge [sflag:s20], $0x1400  }
0x29: {  	[sflag:s20] =	ssyncset.done $0x0  }
0x2a: {  	s11 =	simm.s32 $0xA;
	[sflag:s20] =	ssyncadd.s32 $0xFFFFEC00  }
0x2b: {  	_ =	swait.ge [sflag:s11], $0x500  }
0x2c: {  	[sflag:s11] =	ssyncset.done $0x0  }
0x2d: {  	s12 =	simm.s32 $0xB;
	[sflag:s11] =	ssyncadd.s32 $0xFFFFFB00  }
0x2e: {  	_ =	swait.ge [sflag:s12], $0x500  }
0x2f: {  	[sflag:s12] =	ssyncset.done $0x0  }
0x30: {  	s13 =	simm.s32 $0xC;
	[sflag:s12] =	ssyncadd.s32 $0xFFFFFB00  }
0x31: {  	_ =	swait.ge [sflag:s13], $0x500  }
0x32: {  	[sflag:s13] =	ssyncset.done $0x0  }
0x33: {  	[sflag:s13] =	ssyncadd.s32 $0xFFFFFB00  }
0x34: {  	_ =	swait.ge [sflag:s16], $0x500  }
0x35: {  	[sflag:s16] =	ssyncset.done $0x0  }
0x36: {  	s14 =	stileid.u32;
	[sflag:s16] =	ssyncadd.s32 $0xFFFFFB00  }
0x37: {  	s10 =	sshll.u32 s14, $0x6;
	[bflag:$0x0] =	sbarrier.arrive $0xFFFF  }
0x38: {  	s10 =	sor.u32 $0x1C0E, s10;
	s11 =	sshrl.u32 s9, $0x3;
	s12 =	rddreg [dreg:$0xf]  }
0x39: {  	[hbm:s12], [sflag:s10] =	dma.local [spmem:s11], $0x13C0  }
0x3a: {  	_ =	swait.ge [sflag:s23], $0x13C0  }
0x3b: {  	[sflag:s23] =	ssyncset.done $0x0  }
0x3c: {  	s15 =	sshrl.u32 s17, $0x3;
	s19 =	rddreg [dreg:$0x10];
	[sflag:s23] =	ssyncadd.s32 $0xFFFFEC40  }
0x3d: {  	[hbm:s19], [sflag:s10] =	dma.local [spmem:s15], $0x4F0  }
0x3e: {  	_ =	swait.ge [sflag:s23], $0x4F0  }
0x3f: {  	s18 =	sadd.s32 $0x1, s18;
	s20 =	rddreg [dreg:$0x11]  }
0x40: {  	p0 =	sne.s32 s18, s20  }
.Ltmp1:
0x41: {  	_ = 	snop;
	(pc) =	sbr.rel @!p0 .LBB2_14-.Ltmp1, $3  }
0x42: {  	_ =	sdelay $0x1  }
0x43: {  	[sflag:s23] =	ssyncset.done $0x0  }
0x44: {  	[sflag:s23] =	ssyncadd.s32 $0xFFFFFB10  }
.LBB2_1:
0x45: {  	s10 =	simm.s32 $0x0;
	s11 =	rddreg [dreg:$0x6]  }
0x46: {  	[tilespmem:s10], [sflag:$0x1] =	stream.linear.gather [hbm4b:s11+s10], $0x4E20, $0x38;
	[tilespmem:$0x1F5C0] =	vst v63  }
0x47: {  	s20 =	rddreg [dreg:$0x7];
	s12 =	simm.s32 $0x4E20  }
0x48: {  	[tilespmem:s12], [sflag:$0x1] =	stream.linear.gather [hbm4b:s20+s10], $0x4E20, $0x38;
	[tilespmem:$0x1F5C0] =	vst v63  }
0x49: {  	s11 =	simm.s32 $0x100;
	s10 =	simm.s32 $0x0  }
.LBB2_2:
0x4a: {  	p1 =	sne.s32 s11, $0x4E00;
	[tilespmem:s10+$0xF530] =	vst v1;
	s12 =	smov.u32 s11;
	s11 =	sadd.s32 $0x100, s11  }
.Ltmp2:
0x4b: {  	[tilespmem:s10+$0xF520] =	vst v1;
	(pc) =	sbr.rel @p1 .LBB2_2-.Ltmp2, $3  }
0x4c: {  	[tilespmem:s10+$0xF500] =	vst v1  }
0x4d: {  	[tilespmem:s10+$0xF510] =	vst v1;
	_ =	sdelay $0x1  }
0x4e: {  	s10 =	sshra.s32 s12, $0x2  }
0x4f: {  	[tilespmem:s10+$0xF530] =	vst v1  }
0x50: {  	[tilespmem:s10+$0xF520] =	vst v1  }
0x51: {  	[tilespmem:s10+$0xF500] =	vst v1  }
0x52: {  	[tilespmem:s10+$0xF510] =	vst v1;
	s10 =	simm.s32 $0x40;
	s11 =	simm.s32 $0x0  }
.LBB2_4:
0x53: {  	p1 =	sne.s32 s10, $0x9DC0;
	[tilespmem:s11+$0x108C0] =	vst v1;
	s11 =	smov.u32 s10;
	s10 =	sadd.s32 $0x40, s10  }
.Ltmp3:
0x54: {  	(pc) =	sbr.rel @p1 .LBB2_4-.Ltmp3, $2  }
0x55: {  	_ =	sdelay $0x2  }
0x56: {  	s11 =	sshra.s32 s11, $0x2  }
0x57: {  	[tilespmem:s11+$0x108C0] =	vst v1;
	s10 =	simm.s32 $0x40;
	s11 =	simm.s32 $0x0  }
.LBB2_6:
0x58: {  	p1 =	sne.s32 s10, $0x13C0;
	[tilespmem:s11+$0xF000] =	vst v2;
	s11 =	smov.u32 s10;
	s10 =	sadd.s32 $0x40, s10  }
.Ltmp4:
0x59: {  	(pc) =	sbr.rel @p1 .LBB2_6-.Ltmp4, $2  }
0x5a: {  	_ =	sdelay $0x2  }
0x5b: {  	s11 =	sshra.s32 s11, $0x2  }
0x5c: {  	[tilespmem:s11+$0xF000] =	vst v2  }
0x5d: {  	[spmem:s9] =	stream.linear.scatter [tilespmem:s22], [sflag:$0xE], $0x13C0, $0x38;
	[tilespmem:$0x1F5C0] =	vst v63  }
0x5e: {  	_ =	swait.ge [sflag:s23], $0x13C0  }
0x5f: {  	[sflag:s23] =	ssyncset.done $0x0  }
0x60: {  	s10 =	rddreg [dreg:$0x8];
	[sflag:s23] =	ssyncadd.s32 $0xFFFFEC40  }
0x61: {  	[spmem:s10] =	stream.linear.scatter [tilespmem:s22], [sflag:$0xE], $0x13C0, $0x38;
	[tilespmem:$0x1F5C0] =	vst v63  }
0x62: {  	_ =	swait.ge [sflag:s23], $0x13C0  }
0x63: {  	[sflag:s23] =	ssyncset.done $0x0  }
0x64: {  	s11 =	rddreg [dreg:$0x9];
	[sflag:s23] =	ssyncadd.s32 $0xFFFFEC40  }
0x65: {  	[spmem:s11] =	stream.linear.scatter [tilespmem:s22], [sflag:$0xE], $0x13C0, $0x38;
	[tilespmem:$0x1F5C0] =	vst v63  }
0x66: {  	_ =	swait.ge [sflag:s23], $0x13C0  }
0x67: {  	[sflag:s23] =	ssyncset.done $0x0  }
0x68: {  	s12 =	rddreg [dreg:$0xa];
	[sflag:s23] =	ssyncadd.s32 $0xFFFFEC40  }
0x69: {  	[spmem:s12] =	stream.linear.scatter [tilespmem:s22], [sflag:$0xE], $0x13C0, $0x38;
	[tilespmem:$0x1F5C0] =	vst v63  }
0x6a: {  	_ =	swait.ge [sflag:s23], $0x13C0  }
0x6b: {  	[sflag:s23] =	ssyncset.done $0x0  }
0x6c: {  	s13 =	rddreg [dreg:$0xb];
	[sflag:s23] =	ssyncadd.s32 $0xFFFFEC40  }
0x6d: {  	[spmem:s13] =	stream.linear.scatter [tilespmem:s22], [sflag:$0xE], $0x13C0, $0x38;
	[tilespmem:$0x1F5C0] =	vst v63  }
0x6e: {  	_ =	swait.ge [sflag:s23], $0x13C0  }
0x6f: {  	[sflag:s23] =	ssyncset.done $0x0  }
0x70: {  	s14 =	rddreg [dreg:$0xc];
	[sflag:s23] =	ssyncadd.s32 $0xFFFFEC40  }
0x71: {  	[spmem:s14] =	stream.linear.scatter [tilespmem:s22], [sflag:$0xE], $0x13C0, $0x38;
	[tilespmem:$0x1F5C0] =	vst v63  }
0x72: {  	_ =	swait.ge [sflag:s23], $0x13C0  }
0x73: {  	[sflag:s23] =	ssyncset.done $0x0  }
0x74: {  	s15 =	rddreg [dreg:$0xd];
	[sflag:s23] =	ssyncadd.s32 $0xFFFFEC40  }
0x75: {  	[spmem:s15] =	stream.linear.scatter [tilespmem:s22], [sflag:$0xE], $0x13C0, $0x38;
	[tilespmem:$0x1F5C0] =	vst v63  }
0x76: {  	_ =	swait.ge [sflag:s23], $0x13C0  }
0x77: {  	[sflag:s23] =	ssyncset.done $0x0  }
0x78: {  	s19 =	rddreg [dreg:$0xe];
	[sflag:s23] =	ssyncadd.s32 $0xFFFFEC40  }
0x79: {  	[spmem:s19] =	stream.linear.scatter [tilespmem:s22], [sflag:$0xE], $0x13C0, $0x38;
	[tilespmem:$0x1F5C0] =	vst v63  }
0x7a: {  	_ =	swait.ge [sflag:s23], $0x13C0  }
0x7b: {  	[sflag:s23] =	ssyncset.done $0x0  }
0x7c: {  	s20 =	simm.s32 $0x108C0;
	[sflag:s23] =	ssyncadd.s32 $0xFFFFEC40  }
0x7d: {  	[spmem:s17] =	stream.linear.scatter [tilespmem:s20], [sflag:$0xE], $0x2780, $0x38;
	[tilespmem:$0x1F5C0] =	vst v63  }
0x7e: {  	_ =	swait.ge [sflag:s23], $0x2780  }
0x7f: {  	[sflag:s23] =	ssyncset.done $0x0  }
0x80: {  	[sflag:s23] =	ssyncadd.s32 $0xFFFFD880  }
0x81: {  	_ =	swait.ge [sflag:s25], $0x4E20  }
0x82: {  	[sflag:s25] =	ssyncset.done $0x0  }
0x83: {  	[sflag:s25] =	ssyncadd.s32 $0xFFFFB1E0  }
.Ltmp5:
0x84: {  	_ =	swait.ge [sflag:s25], $0x4E20;
	(pc) =	sbr.rel .LBB2_8-.Ltmp5, $4  }
0x85: {  	[sflag:s25] =	ssyncset.done $0x0  }
0x86: {  	[sflag:s25] =	ssyncadd.s32 $0xFFFFB1E0  }
0x87: {  	s10 =	simm.s32 $0x4EC0;
	[bflag:$0x0] =	sbarrier.arrive $0xFFFF  }
0x88: {  	s11 =	simm.s32 $0xA0;
	s19 =	simm.s32 $0x0;
	s20 =	simm.s32 $0x3  }
.LBB2_9:
0x89: {  	_ =	swait.ge [sflag:s24], $0x1400  }
0x8a: {  	[sflag:s24] =	ssyncset.done $0x0  }
0x8b: {  	[sflag:s24] =	ssyncadd.s32 $0xFFFFEC00  }
.LBB2_11:
0x8c: {  	v3 =	vld [tilespmem:s11+$0x50];
	_ =	sdelay $0x4  }
0x8d: {  	v3 =	vshll.u32 v3, $0x1  }
0x8e: {  	v3 =	vor.u32 v0, v3  }
0x8f: {  	[tilespmem:$0x9D30] =	vst v3  }
0x90: {  	v3 =	vld [tilespmem:s10+$0x50];
	_ =	sdelay $0x4  }
0x91: {  	[tilespmem:$0x9E70] =	vst v3  }
0x92: {  	v3 =	vld [tilespmem:s11+$0x60];
	_ =	sdelay $0x4  }
0x93: {  	v3 =	vshll.u32 v3, $0x1  }
0x94: {  	v3 =	vor.u32 v0, v3  }
0x95: {  	[tilespmem:$0x9D40] =	vst v3  }
0x96: {  	v3 =	vld [tilespmem:s10+$0x60];
	_ =	sdelay $0x4  }
0x97: {  	[tilespmem:$0x9E80] =	vst v3  }
0x98: {  	v3 =	vld [tilespmem:s11+$0x70];
	_ =	sdelay $0x4  }
0x99: {  	v3 =	vshll.u32 v3, $0x1  }
0x9a: {  	v3 =	vor.u32 v0, v3  }
0x9b: {  	[tilespmem:$0x9D50] =	vst v3  }
0x9c: {  	v3 =	vld [tilespmem:s10+$0x70];
	_ =	sdelay $0x4  }
0x9d: {  	[tilespmem:$0x9E90] =	vst v3  }
0x9e: {  	v3 =	vld [tilespmem:s11+$0x80];
	_ =	sdelay $0x4  }
0x9f: {  	v3 =	vshll.u32 v3, $0x1  }
0xa0: {  	v3 =	vor.u32 v0, v3  }
0xa1: {  	[tilespmem:$0x9D60] =	vst v3  }
0xa2: {  	v3 =	vld [tilespmem:s10+$0x80];
	_ =	sdelay $0x4  }
0xa3: {  	[tilespmem:$0x9EA0] =	vst v3  }
0xa4: {  	v3 =	vld [tilespmem:s11+$0x90];
	_ =	sdelay $0x4  }
0xa5: {  	v3 =	vshll.u32 v3, $0x1  }
0xa6: {  	v3 =	vor.u32 v0, v3  }
0xa7: {  	[tilespmem:$0x9D70] =	vst v3  }
0xa8: {  	v3 =	vld [tilespmem:s10+$0x90];
	_ =	sdelay $0x4  }
0xa9: {  	[tilespmem:$0x9EB0] =	vst v3  }
0xaa: {  	[tilespmem:s5], [sflag:$0x5] =	stream.indirect.gather [hbm4b:s1+s26], $0x40, s2, s26, $0xb8;
	[tilespmem:$0x1F5C0] =	vst v63  }
.LBB2_12:
0xab: {  	_ =	swait.ge [sflag:s7], $0x1400  }
0xac: {  	[sflag:s7] =	ssyncset.done $0x0;
	s14 =	sld [smem:$0x7FD]  }
0xad: {  	p0 =	sgt.u32 s19, $0x1E;
	[sflag:s7] =	ssyncadd.s32 $0xFFFFEC00  }
0xae: {  	[spmem:s3] =	stream.indirect.scatter.add.f32 [tilespmem:s31], [sflag:$0x7], $0x40, s8, s26, $0xb8;
	[tilespmem:$0x1F5C0] =	vst v63  }
0xaf: {  	s12 =	simm.s32 $0x1;
	s13 =	simm.s32 $0x1;
	p2 =	seq.s32 s14, $0x1  }
0xb0: {  	s13 =	simm.s32 @!p0 $0x0;
	s12 =	simm.s32 @!p2 $0x0  }
0xb1: {  	p2 =	seq.s32 s13, s12  }
0xb2: {  	p0 =	seq.s32 @!p2 s20, $0x3;
	p1 =	por @!p2 !p1, !p1  }
0xb3: {  	p0 =	por @!p2 p0, p1  }
0xb4: {  	p0 =	por p0, p2  }
0xb5: {  	s12 =	simm.s32 @!p0 $0xB  }
0xb6: {  	_ =	swait.ge @!p0 [sflag:s12], $0x500  }
0xb7: {  	[sflag:s12] =	ssyncset.done @!p0 $0x0  }
0xb8: {  	[sflag:s12] =	ssyncadd.s32 @!p0 $0xFFFFFB00  }
0xb9: {  	v3 =	vld @!p2 [tilespmem:$0x9DD0]  }
0xba: {  	v4 =	vld @!p2 [tilespmem:$0x9DE0]  }
0xbb: {  	v5 =	vld @!p2 [tilespmem:$0x9DF0]  }
0xbc: {  	v6 =	vld @!p2 [tilespmem:$0x9E00]  }
0xbd: {  	s20 =	sadd.s32 $0x4, s20;
	v7 =	vld @!p2 [tilespmem:$0x9E10]  }
0xbe: {  	p0 =	sne.s32 s20, $0xFF;
	[tilespmem:$0x9F10] =	vst @!p2 v3  }
.Ltmp6:
0xbf: {  	[tilespmem:$0x9F20] =	vst @!p2 v4;
	(pc) =	sbr.rel @!p0 .LBB2_13-.Ltmp6, $4  }
0xc0: {  	[tilespmem:$0x9F30] =	vst @!p2 v5  }
0xc1: {  	s19 =	sadd.s32 $0x1, s19;
	s10 =	sadd.s32 $0x140, s10;
	s11 =	sadd.s32 $0x140, s11;
	[tilespmem:$0x9F40] =	vst @!p2 v6  }
0xc2: {  	s13 =	simm.s32 @!p2 $0x9F10;
	s14 =	simm.s32 @!p2 $0xF000;
	s12 =	simm.s32 @!p2 $0x50;
	[tilespmem:$0x9F50] =	vst @!p2 v7  }
0xc3: {  	[spmem:s4] =	stream.indirect.scatter.add.f32 @!p2 [tilespmem:s14], [sflag:$0xB], $0x10, s13, s12, $0xb8;
	[tilespmem:$0x1F5C0] =	vst v63  }
.LBB2_8:
0xc4: {  	s12 =	sadd.s32 $0xFFFFFFF9, s20  }
0xc5: {  	p1 =	sgt.u32 s12, $0xF5  }
0xc6: {  	s12 =	simm.s32 @!p1 $0x6  }
0xc7: {  	_ =	swait.ge @!p1 [sflag:s12], $0x1400  }
0xc8: {  	[sflag:s12] =	ssyncset.done @!p1 $0x0  }
0xc9: {  	[sflag:s12] =	ssyncadd.s32 @!p1 $0xFFFFEC00  }
0xca: {  	v3 =	vld [tilespmem:s11+$0xFFFFFF60];
	_ =	sdelay $0x4  }
0xcb: {  	v3 =	vshll.u32 v3, $0x1  }
0xcc: {  	v3 =	vor.u32 v0, v3  }
0xcd: {  	[tilespmem:$0x9C40] =	vst v3  }
0xce: {  	v3 =	vld [tilespmem:s10+$0xFFFFFF60];
	_ =	sdelay $0x4  }
0xcf: {  	[tilespmem:$0x9D80] =	vst v3  }
0xd0: {  	v3 =	vld [tilespmem:s11+$0xFFFFFF70];
	_ =	sdelay $0x4  }
0xd1: {  	v3 =	vshll.u32 v3, $0x1  }
0xd2: {  	v3 =	vor.u32 v0, v3  }
0xd3: {  	[tilespmem:$0x9C50] =	vst v3  }
0xd4: {  	v3 =	vld [tilespmem:s10+$0xFFFFFF70];
	_ =	sdelay $0x4  }
0xd5: {  	[tilespmem:$0x9D90] =	vst v3  }
0xd6: {  	v3 =	vld [tilespmem:s11+$0xFFFFFF80];
	_ =	sdelay $0x4  }
0xd7: {  	v3 =	vshll.u32 v3, $0x1  }
0xd8: {  	v3 =	vor.u32 v0, v3  }
0xd9: {  	[tilespmem:$0x9C60] =	vst v3  }
0xda: {  	v3 =	vld [tilespmem:s10+$0xFFFFFF80];
	_ =	sdelay $0x4  }
0xdb: {  	[tilespmem:$0x9DA0] =	vst v3  }
0xdc: {  	v3 =	vld [tilespmem:s11+$0xFFFFFF90];
	_ =	sdelay $0x4  }
0xdd: {  	v3 =	vshll.u32 v3, $0x1  }
0xde: {  	v3 =	vor.u32 v0, v3  }
0xdf: {  	[tilespmem:$0x9C70] =	vst v3  }
0xe0: {  	v3 =	vld [tilespmem:s10+$0xFFFFFF90];
	_ =	sdelay $0x4  }
0xe1: {  	[tilespmem:$0x9DB0] =	vst v3  }
0xe2: {  	v3 =	vld [tilespmem:s11+$0xFFFFFFA0];
	_ =	sdelay $0x4  }
0xe3: {  	v3 =	vshll.u32 v3, $0x1  }
0xe4: {  	v3 =	vor.u32 v0, v3  }
0xe5: {  	[tilespmem:$0x9C80] =	vst v3  }
0xe6: {  	v3 =	vld [tilespmem:s10+$0xFFFFFFA0];
	_ =	sdelay $0x2  }
0xe7: {  	s12 =	sadd.s32 $0xFFFFFFFB, s20  }
0xe8: {  	p2 =	slt.u32 s12, $0xFA  }
0xe9: {  	s13 =	simm.s32 @p2 $0x4;
	[tilespmem:$0x9DC0] =	vst v3  }
0xea: {  	[tilespmem:s29], [sflag:$0x2] =	stream.indirect.gather [hbm4b:s1+s26], $0x40, s28, s26, $0xb8;
	[tilespmem:$0x1F5C0] =	vst v63  }
0xeb: {  	s14 =	simm.s32 @p2 $0x9E20;
	s15 =	simm.s32 @p2 $0xC800;
	_ =	swait.ge @p2 [sflag:s13], $0x1400  }
0xec: {  	p1 =	seq.s32 @p2 s6, $0x0;
	p3 =	sgt.u32 @p2 s19, $0x1F;
	[sflag:s13] =	ssyncset.done @p2 $0x0  }
0xed: {  	p3 =	por !p3, !p2;
	[sflag:s13] =	ssyncadd.s32 @p2 $0xFFFFEC00;
	s13 =	simm.s32 @p2 $0x50  }
0xee: {  	[spmem:s3] =	stream.indirect.scatter.add.f32 @p2 [tilespmem:s15], [sflag:$0x8], $0x40, s14, s13, $0xb8;
	[tilespmem:$0x1F5C0] =	vst v63  }
0xef: {  	p1 =	por !p1, !p2;
	s13 =	simm.s32 @p2 $0x1;
	s14 =	simm.s32 @p2 $0x1  }
0xf0: {  	s14 =	simm.s32 @p3 $0x0;
	s13 =	simm.s32 @p1 $0x0  }
0xf1: {  	p4 =	seq.s32 @p2 s13, s14  }
0xf2: {  	p1 =	por p4, !p2  }
0xf3: {  	p3 =	seq.s32 @!p1 s6, $0x0  }
0xf4: {  	p5 =	sgt.u32 @!p1 s19, $0x20;
	p3 =	por @p2 !p3, p4  }
0xf5: {  	p6 =	por @!p1 !p5, !p5;
	p3 =	por !p3, !p2  }
0xf6: {  	p0 =	slt.u32 @!p1 s19, $0x2;
	p6 =	por @!p3 p5, p5  }
0xf7: {  	p0 =	por @!p1 !p6, p0  }
0xf8: {  	p0 =	por @p2 p0, p4  }
0xf9: {  	p0 =	por p0, !p2  }
0xfa: {  	s13 =	simm.s32 @!p0 $0xC  }
0xfb: {  	_ =	swait.ge @!p0 [sflag:s13], $0x500  }
0xfc: {  	[sflag:s13] =	ssyncset.done @!p0 $0x0  }
0xfd: {  	[sflag:s13] =	ssyncadd.s32 @!p0 $0xFFFFFB00  }
0xfe: {  	v3 =	vld @!p1 [tilespmem:$0x9E20]  }
0xff: {  	v4 =	vld @!p1 [tilespmem:$0x9E30]  }
0x100: {  	v5 =	vld @!p1 [tilespmem:$0x9E40]  }
0x101: {  	v6 =	vld @!p1 [tilespmem:$0x9E50]  }
0x102: {  	v7 =	vld @!p1 [tilespmem:$0x9E60]  }
0x103: {  	[tilespmem:$0x9F60] =	vst @!p1 v3  }
0x104: {  	[tilespmem:$0x9F70] =	vst @!p1 v4  }
0x105: {  	[tilespmem:$0x9F80] =	vst @!p1 v5  }
0x106: {  	s14 =	simm.s32 @!p1 $0x9F60;
	[tilespmem:$0x9F90] =	vst @!p1 v6  }
0x107: {  	s15 =	simm.s32 @!p1 $0xF000;
	p3 =	seq.s32 s20, $0x3;
	s13 =	simm.s32 @!p1 $0x50;
	[tilespmem:$0x9FA0] =	vst @!p1 v7  }
0x108: {  	[spmem:s4] =	stream.indirect.scatter.add.f32 @!p1 [tilespmem:s15], [sflag:$0xC], $0x10, s14, s13, $0xb8;
	[tilespmem:$0x1F5C0] =	vst v63  }
0x109: {  	s13 =	simm.s32 @!p3 $0x7  }
0x10a: {  	_ =	swait.ge @!p3 [sflag:s13], $0x1400  }
0x10b: {  	[sflag:s13] =	ssyncset.done @!p3 $0x0  }
0x10c: {  	[sflag:s13] =	ssyncadd.s32 @!p3 $0xFFFFEC00  }
0x10d: {  	v3 =	vld [tilespmem:s11+$0xFFFFFFB0];
	_ =	sdelay $0x4  }
0x10e: {  	v3 =	vshll.u32 v3, $0x1  }
0x10f: {  	v3 =	vor.u32 v0, v3  }
0x110: {  	[tilespmem:$0x9C90] =	vst v3  }
0x111: {  	v3 =	vld [tilespmem:s10+$0xFFFFFFB0];
	_ =	sdelay $0x4  }
0x112: {  	[tilespmem:$0x9DD0] =	vst v3  }
0x113: {  	v3 =	vld [tilespmem:s11+$0xFFFFFFC0];
	_ =	sdelay $0x4  }
0x114: {  	v3 =	vshll.u32 v3, $0x1  }
0x115: {  	v3 =	vor.u32 v0, v3  }
0x116: {  	[tilespmem:$0x9CA0] =	vst v3  }
0x117: {  	v3 =	vld [tilespmem:s10+$0xFFFFFFC0];
	_ =	sdelay $0x4  }
0x118: {  	[tilespmem:$0x9DE0] =	vst v3  }
0x119: {  	v3 =	vld [tilespmem:s11+$0xFFFFFFD0];
	_ =	sdelay $0x4  }
0x11a: {  	v3 =	vshll.u32 v3, $0x1  }
0x11b: {  	v3 =	vor.u32 v0, v3  }
0x11c: {  	[tilespmem:$0x9CB0] =	vst v3  }
0x11d: {  	v3 =	vld [tilespmem:s10+$0xFFFFFFD0];
	_ =	sdelay $0x4  }
0x11e: {  	[tilespmem:$0x9DF0] =	vst v3  }
0x11f: {  	v3 =	vld [tilespmem:s11+$0xFFFFFFE0];
	_ =	sdelay $0x4  }
0x120: {  	v3 =	vshll.u32 v3, $0x1  }
0x121: {  	v3 =	vor.u32 v0, v3  }
0x122: {  	[tilespmem:$0x9CC0] =	vst v3  }
0x123: {  	v3 =	vld [tilespmem:s10+$0xFFFFFFE0];
	_ =	sdelay $0x4  }
0x124: {  	[tilespmem:$0x9E00] =	vst v3  }
0x125: {  	v3 =	vld [tilespmem:s11+$0xFFFFFFF0];
	_ =	sdelay $0x4  }
0x126: {  	v3 =	vshll.u32 v3, $0x1  }
0x127: {  	v3 =	vor.u32 v0, v3  }
0x128: {  	[tilespmem:$0x9CD0] =	vst v3  }
0x129: {  	v3 =	vld [tilespmem:s10+$0xFFFFFFF0];
	_ =	sdelay $0x3  }
0x12a: {  	p5 =	sgt.u32 s12, $0xF9;
	p4 =	por !p4, !p2;
	p0 =	por @p2 $0x0, $0x0  }
0x12b: {  	p1 =	por @!p1 $0x1, $0x1;
	s14 =	simm.s32 @!p5 $0x9E70;
	s13 =	simm.s32 @!p5 $0x5;
	[tilespmem:$0x9E10] =	vst v3  }
0x12c: {  	[tilespmem:s31], [sflag:$0x3] =	stream.indirect.gather [hbm4b:s1+s26], $0x40, s30, s26, $0xb8;
	[tilespmem:$0x1F5C0] =	vst v63  }
0x12d: {  	s15 =	simm.s32 @!p5 $0xDC00;
	p1 =	por @!p4 p0, p0;
	_ =	swait.ge @!p5 [sflag:s13], $0x1400  }
0x12e: {  	p0 =	por @!p2 $0x0, $0x0;
	p4 =	por p1, p1;
	[sflag:s13] =	ssyncset.done @!p5 $0x0  }
0x12f: {  	p4 =	por @!p2 p0, p0;
	[sflag:s13] =	ssyncadd.s32 @!p5 $0xFFFFEC00;
	s13 =	simm.s32 @!p5 $0x50  }
0x130: {  	[spmem:s3] =	stream.indirect.scatter.add.f32 @!p5 [tilespmem:s15], [sflag:$0x9], $0x40, s14, s13, $0xb8;
	[tilespmem:$0x1F5C0] =	vst v63  }
0x131: {  	p0 =	seq.s32 @p4 s6, $0x0;
	p5 =	sgt.u32 @p4 s19, $0x20  }
0x132: {  	p6 =	por @p4 !p0, !p0;
	p5 =	por !p5, !p4  }
0x133: {  	p0 =	por @!p5 p6, p6;
	p5 =	slt.u32 @p4 s19, $0x2  }
0x134: {  	p0 =	por @p4 !p0, p5  }
0x135: {  	p0 =	por p0, !p4  }
0x136: {  	s13 =	simm.s32 @!p0 $0xD  }
0x137: {  	_ =	swait.ge @!p0 [sflag:s13], $0x500  }
0x138: {  	[sflag:s13] =	ssyncset.done @!p0 $0x0  }
0x139: {  	[sflag:s13] =	ssyncadd.s32 @!p0 $0xFFFFFB00  }
0x13a: {  	v3 =	vld @p4 [tilespmem:$0x9E70]  }
0x13b: {  	v4 =	vld @p4 [tilespmem:$0x9E80]  }
0x13c: {  	v5 =	vld @p4 [tilespmem:$0x9E90]  }
0x13d: {  	v6 =	vld @p4 [tilespmem:$0x9EA0]  }
0x13e: {  	v7 =	vld @p4 [tilespmem:$0x9EB0]  }
0x13f: {  	[tilespmem:$0x9FB0] =	vst @p4 v3  }
0x140: {  	[tilespmem:$0x9FC0] =	vst @p4 v4  }
0x141: {  	[tilespmem:$0x9FD0] =	vst @p4 v5  }
0x142: {  	s14 =	simm.s32 @p4 $0x9FB0;
	p0 =	sgt.u32 s12, $0xF5;
	[tilespmem:$0x9FE0] =	vst @p4 v6  }
0x143: {  	s15 =	simm.s32 @p4 $0xF000;
	s13 =	simm.s32 @p4 $0x50;
	s12 =	simm.s32 @!p0 $0x8;
	[tilespmem:$0x9FF0] =	vst @p4 v7  }
0x144: {  	[spmem:s4] =	stream.indirect.scatter.add.f32 @p4 [tilespmem:s15], [sflag:$0xD], $0x10, s14, s13, $0xb8;
	[tilespmem:$0x1F5C0] =	vst v63  }
0x145: {  	_ =	swait.ge @!p0 [sflag:s12], $0x1400  }
0x146: {  	s15 =	sadd.s32 $0xFFFFFFFF, s20;
	[sflag:s12] =	ssyncset.done @!p0 $0x0  }
0x147: {  	p4 =	sgt.u32 s15, $0xF9;
	[sflag:s12] =	ssyncadd.s32 @!p0 $0xFFFFEC00  }
0x148: {  	v3 =	vld @!p4 [tilespmem:s11+$0x0];
	_ =	sdelay $0x4  }
0x149: {  	v3 =	vshll.u32 @!p4 v3, $0x1  }
0x14a: {  	v3 =	vor.u32 @!p4 v0, v3  }
0x14b: {  	[tilespmem:$0x9CE0] =	vst @!p4 v3  }
0x14c: {  	v3 =	vld @!p4 [tilespmem:s10+$0x0];
	_ =	sdelay $0x4  }
0x14d: {  	[tilespmem:$0x9E20] =	vst @!p4 v3  }
0x14e: {  	v3 =	vld @!p4 [tilespmem:s11+$0x10];
	_ =	sdelay $0x4  }
0x14f: {  	v3 =	vshll.u32 @!p4 v3, $0x1  }
0x150: {  	v3 =	vor.u32 @!p4 v0, v3  }
0x151: {  	[tilespmem:$0x9CF0] =	vst @!p4 v3  }
0x152: {  	v3 =	vld @!p4 [tilespmem:s10+$0x10];
	_ =	sdelay $0x4  }
0x153: {  	[tilespmem:$0x9E30] =	vst @!p4 v3  }
0x154: {  	v3 =	vld @!p4 [tilespmem:s11+$0x20];
	_ =	sdelay $0x4  }
0x155: {  	v3 =	vshll.u32 @!p4 v3, $0x1  }
0x156: {  	v3 =	vor.u32 @!p4 v0, v3  }
0x157: {  	[tilespmem:$0x9D00] =	vst @!p4 v3  }
0x158: {  	v3 =	vld @!p4 [tilespmem:s10+$0x20];
	_ =	sdelay $0x4  }
0x159: {  	[tilespmem:$0x9E40] =	vst @!p4 v3  }
0x15a: {  	v3 =	vld @!p4 [tilespmem:s11+$0x30];
	_ =	sdelay $0x4  }
0x15b: {  	v3 =	vshll.u32 @!p4 v3, $0x1  }
0x15c: {  	v3 =	vor.u32 @!p4 v0, v3  }
0x15d: {  	[tilespmem:$0x9D10] =	vst @!p4 v3  }
0x15e: {  	v3 =	vld @!p4 [tilespmem:s10+$0x30];
	_ =	sdelay $0x4  }
0x15f: {  	[tilespmem:$0x9E50] =	vst @!p4 v3  }
0x160: {  	v3 =	vld @!p4 [tilespmem:s11+$0x40];
	_ =	sdelay $0x4  }
0x161: {  	v3 =	vshll.u32 @!p4 v3, $0x1  }
0x162: {  	v3 =	vor.u32 @!p4 v0, v3  }
0x163: {  	[tilespmem:$0x9D20] =	vst @!p4 v3  }
0x164: {  	v3 =	vld @!p4 [tilespmem:s10+$0x40]  }
0x165: {  	p5 =	sgt.u32 @!p2 s19, $0x1F;
	p0 =	seq.s32 @!p2 s6, $0x0  }
0x166: {  	p6 =	por @!p2 !p5, !p5;
	p0 =	por !p0, p2  }
0x167: {  	p5 =	por @!p0 p6, p6  }
0x168: {  	s13 =	simm.s32 @!p4 $0x9CE0;
	s14 =	simm.s32 @!p4 $0xC800;
	p1 =	por @!p2 p5, p5  }
0x169: {  	s12 =	simm.s32 @!p4 $0x50;
	p0 =	seq.s32 @p1 s6, $0x0;
	p2 =	sgt.u32 @p1 s19, $0x20;
	[tilespmem:$0x9E60] =	vst @!p4 v3  }
0x16a: {  	[tilespmem:s14], [sflag:$0x4] =	stream.indirect.gather @!p4 [hbm4b:s1+s12], $0x40, s13, s12, $0xb8;
	[tilespmem:$0x1F5C0] =	vst v63  }
0x16b: {  	p2 =	por !p2, !p1;
	p4 =	por @p1 !p0, !p0  }
0x16c: {  	_ =	swait.ge [sflag:s0], $0x1400;
	p0 =	por @!p2 p4, p4;
	p2 =	seq.s32 @p1 s20, $0x3  }
0x16d: {  	[sflag:s0] =	ssyncset.done $0x0;
	p0 =	por @p1 !p0, p2  }
0x16e: {  	[sflag:s0] =	ssyncadd.s32 $0xFFFFEC00;
	p0 =	por p0, !p1  }
0x16f: {  	[spmem:s3] =	stream.indirect.scatter.add.f32 [tilespmem:s29], [sflag:$0x6], $0x40, s21, s26, $0xb8;
	[tilespmem:$0x1F5C0] =	vst v63  }
0x170: {  	s12 =	simm.s32 @!p0 $0xA  }
0x171: {  	_ =	swait.ge @!p0 [sflag:s12], $0x500  }
0x172: {  	[sflag:s12] =	ssyncset.done @!p0 $0x0  }
0x173: {  	[sflag:s12] =	ssyncadd.s32 @!p0 $0xFFFFFB00  }
0x174: {  	v3 =	vld @p1 [tilespmem:$0x9D80]  }
0x175: {  	v4 =	vld @p1 [tilespmem:$0x9D90]  }
0x176: {  	v5 =	vld @p1 [tilespmem:$0x9DA0]  }
0x177: {  	v6 =	vld @p1 [tilespmem:$0x9DB0]  }
0x178: {  	p0 =	sgt.u32 @!p3 s20, $0xF9;
	v7 =	vld @p1 [tilespmem:$0x9DC0]  }
0x179: {  	p0 =	por p3, p0;
	[tilespmem:$0x9EC0] =	vst @p1 v3  }
.Ltmp7:
0x17a: {  	[tilespmem:$0x9ED0] =	vst @p1 v4;
	(pc) =	sbr.rel @!p0 .LBB2_9-.Ltmp7, $4  }
0x17b: {  	[tilespmem:$0x9EE0] =	vst @p1 v5  }
0x17c: {  	[tilespmem:$0x9EF0] =	vst @p1 v6  }
0x17d: {  	s13 =	simm.s32 @p1 $0x9EC0;
	s14 =	simm.s32 @p1 $0xF000;
	s12 =	simm.s32 @p1 $0x50;
	[tilespmem:$0x9F00] =	vst @p1 v7  }
0x17e: {  	[spmem:s4] =	stream.indirect.scatter.add.f32 @p1 [tilespmem:s14], [sflag:$0xA], $0x10, s13, s12, $0xb8;
	[tilespmem:$0x1F5C0] =	vst v63  }
0x17f: {  	p0 =	sgt.u32 s20, $0xF9  }
.Ltmp8:
0x180: {  	_ = 	snop;
	(pc) =	sbr.rel @p0 .LBB2_12-.Ltmp8, $4  }
.Ltmp9:
0x181: {  	_ = 	snop;
	(pc) =	sbr.rel @!p0 .LBB2_11-.Ltmp9, $4  }
0x182: {  	_ = 	snop  }
0x183: {  	_ = 	snop  }
0x184: {  	_ = 	snop  }
0x185: {  	_ = 	snop  }
.LBB2_14:
0x186: {  	_ =	sfence.sel $0x180000  }
0x187: {  	[bflag:$0x0] =	sbarrier.arrive $0xFFFF  }
0x188: {  	_ =	strace $0x90000047  }
0x189: {  	s0 =	stileid.u32;
	[bflag:$0x2] =	sbarrier.arrive $0xFFFF  }
0x18a: {  	p0 =	sne.s32 s0, $0x0;
	s0 =	rddreg [dreg:$0x5]  }
0x18b: {  	s0 =	sadd.s32 @!p0 $0x100000, s0  }
0x18c: {  	[sflag:s0] =	ssyncadd.tile.s32 @!p0 $0x1;
	_ =	shalt  }
.Lfunc_end2:
_tile_overlayer_lowered:
.L_overlay_start_2:
0x18d: {  	(tag) =	ssettag $0x2  }
0x18e: {  	s0 =	rddreg [dreg:$0x0];
	s2 =	stileid.u32  }
0x18f: {  	s1 =	rddreg [dreg:$0x1];
	p0 =	sne.s32 s2, $0x0  }
0x190: {  	s3 =	rddreg [dreg:$0x2];
	[bflag:$0x3] =	sbarrier.arrive $0xFFFF;
	s2 =	simm.s32 @!p0 $0x1C0E  }
0x191: {  	[timem:s3], [sflag:s2] =	dma.local @!p0 [hbm:s0], s1  }
0x192: {  	s0 =	simm.s32 @!p0 $0xE  }
0x193: {  	_ =	swait.ge @!p0 [sflag:s0], s1  }
0x194: {  	s1 =	ssub.s32 @!p0 $0x0, s1;
	[sflag:s0] =	ssyncset.done @!p0 $0x0  }
0x195: {  	[sflag:s0] =	ssyncadd.s32 @!p0 s1  }
0x196: {  	[bflag:$0x3] =	sbarrier.arrive $0xFFFF  }
0x197: {  	_ =	shalt  }

</sc_bundles>
